<compile_context>
chip_gen: v7x
topology: tpu7x:2x2x1
jax: 0.10.2.dev20260603
libtpu: 0.0.44.dev20260713+nightly
codegen_flags: <defaults>
</compile_context>

<pallas_src>
import functools

import jax
import jax.numpy as jnp
from jax import lax
from jax.experimental import pallas as pl
from jax.experimental.pallas import tpu as pltpu
from jax.experimental.pallas import tpu_sc as plsc

NC = 100000
NP = 1000000
NV = 200000
D = 27
EPS = 1e-5
KEYSPACE = 32 * 64 * 64 * 64

_BLK = 4096
_R = _BLK // 4
_CHUNK = 800
_NCHUNK = NP // _CHUNK
_NW = 32


def _sc_gather(points_idx, cfall_rows, sums_rows, labv):
    mesh = plsc.VectorSubcoreMesh(core_axis_name="c", subcore_axis_name="s")

    @functools.partial(
        pl.kernel,
        mesh=mesh,
        compiler_params=pltpu.CompilerParams(use_tc_tiling_on_sc=False),
        out_type=[
            jax.ShapeDtypeStruct((NP, 32), jnp.float32),
            jax.ShapeDtypeStruct((NP, 32), jnp.float32),
        ],
        scratch_types=[
            pltpu.VMEM((_CHUNK,), jnp.int32),
            pltpu.VMEM((_CHUNK,), jnp.int32),
            pltpu.VMEM((_CHUNK,), jnp.int32),
            pltpu.VMEM((_CHUNK,), jnp.int32),
            pltpu.VMEM((_CHUNK, 32), jnp.float32),
            pltpu.VMEM((_CHUNK, 32), jnp.float32),
            pltpu.SemaphoreType.DMA,
        ],
    )
    def k(pidx, tab_a2, tab_s2, lab_h, g_a2, g_b2, idx_v, i2_v, idx4_v,
          i24_v, r_a, r_b, sem):
        wid = lax.axis_index("s") * 2 + lax.axis_index("c")

        def mul4(src, dst):
            def m(j):
                sl = pl.ds(j * 16, 16)
                dst[sl] = src[sl] * 4

            pl.loop(0, _CHUNK // 16)(m)

        def body(i):
            g = wid + _NW * i

            @pl.when(g < _NCHUNK)
            def _():
                base = g * _CHUNK
                pltpu.sync_copy(pidx.at[pl.ds(base, _CHUNK)], idx_v)
                pltpu.async_copy(lab_h.at[idx_v], i2_v, sem).wait()
                mul4(idx_v, idx4_v)
                mul4(i2_v, i24_v)
                pltpu.async_copy(tab_a2.at[idx4_v], r_a, sem).wait()
                pltpu.async_copy(tab_s2.at[i24_v], r_b, sem).wait()
                pltpu.sync_copy(r_a, g_a2.at[pl.ds(base, _CHUNK)])
                pltpu.sync_copy(r_b, g_b2.at[pl.ds(base, _CHUNK)])

        pl.loop(0, pl.cdiv(_NCHUNK, _NW))(body)

    return k(points_idx, cfall_rows, sums_rows, labv)


def _unpack(x_pack, cols):
    rows = jax.lax.broadcasted_iota(jnp.int32, (4 * x_pack.shape[0], 1), 0) % 4
    out = None
    for j in range(4):
        xj = jnp.repeat(x_pack[:, 32 * j:32 * j + cols], 4, axis=0)
        sel = jnp.where(rows == j, xj, 0.0)
        out = sel if out is None else out + sel
    return out


def _dense_body(pf_ref, ga_ref, gb_ref, w_ref, s_ref, t_ref, out_ref,
                mask_ref):
    pf = pf_ref[...]
    pfc = _unpack(ga_ref[...], D)
    sb = _unpack(gb_ref[...], 28)
    sums, cnt = sb[:, :D], sb[:, D:D + 1]
    pfa = jnp.where(cnt > 0, sums / jnp.maximum(cnt, 1.0), 0.0)
    cat = jnp.concatenate([pf, pfc, pfa], axis=1)
    h = jnp.dot(cat, w_ref[...], preferred_element_type=jnp.float32)
    h = h * s_ref[...] + t_ref[...]
    h = jnp.where(h >= 0, h, 0.1 * h)
    m = jnp.sum(pfc - pfa, axis=1) > 0
    out_ref[...] = jnp.where(m[:, None], h, pf)
    mask_ref[...] = m.astype(jnp.int32)


def _dense_stage(pf, ga4, gb4, w_full, s, t):
    grid = (pl.cdiv(NP, _BLK),)
    return pl.pallas_call(
        _dense_body,
        grid=grid,
        in_specs=[
            pl.BlockSpec((_BLK, D), lambda i: (i, 0)),
            pl.BlockSpec((_R, 128), lambda i: (i, 0)),
            pl.BlockSpec((_R, 128), lambda i: (i, 0)),
            pl.BlockSpec((3 * D, D), lambda i: (0, 0)),
            pl.BlockSpec((1, D), lambda i: (0, 0)),
            pl.BlockSpec((1, D), lambda i: (0, 0)),
        ],
        out_specs=[
            pl.BlockSpec((_BLK, D), lambda i: (i, 0)),
            pl.BlockSpec((_BLK,), lambda i: (i,)),
        ],
        out_shape=[
            jax.ShapeDtypeStruct((NP, D), jnp.float32),
            jax.ShapeDtypeStruct((NP,), jnp.int32),
        ],
    )(pf, ga4, gb4, w_full, s, t)


def kernel(cluster_feature, cluster_voxel_idx, cluster_idx, points_feature,
           points_voxel_idx, points_idx, voxel_unique,
           W_down, b_down, bn_gamma, bn_beta, bn_mean, bn_var):
    inv_std = 1.0 / jnp.sqrt(bn_var + EPS)
    s = (bn_gamma * inv_std)[None, :]
    t = ((b_down - bn_mean) * bn_gamma * inv_std + bn_beta)[None, :]

    vau0 = voxel_unique[:, 0] // 2
    keys = ((vau0 * 64 + voxel_unique[:, 1]) * 64
            + voxel_unique[:, 2]) * 64 + voxel_unique[:, 3]
    rep = jnp.zeros((KEYSPACE,), jnp.int32).at[keys].set(
        jnp.arange(NV, dtype=jnp.int32))
    labv = rep[keys]
    gc = labv[cluster_idx]

    upd_sum = jnp.concatenate(
        [cluster_feature, jnp.ones((NC, 1), jnp.float32),
         jnp.zeros((NC, 100), jnp.float32)], axis=1)
    sums128 = jnp.zeros((NV, 128), jnp.float32).at[gc].add(upd_sum)
    upd_cf = jnp.concatenate(
        [cluster_feature, jnp.zeros((NC, 101), jnp.float32)], axis=1)
    cfall128 = jnp.zeros((NV, 128), jnp.float32).at[cluster_idx].set(upd_cf)

    g_a, g_b = _sc_gather(points_idx, cfall128.reshape(NV * 4, 32),
                          sums128.reshape(NV * 4, 32), labv)
    ga4 = g_a.reshape(NP // 4, 128)
    gb4 = g_b.reshape(NP // 4, 128)

    out, mask_i = _dense_stage(points_feature, ga4, gb4, W_down, s, t)
    return out, mask_i.astype(bool)

# --- scband reference (transcript-rebuilt; emitter-appended) ---
"""Pipeline reference for scband-instance-comm-cluster-points-29815662969430 (READ-ONLY COPY).

The authoritative reference and input builder live on the scoring server;
editing this copy changes nothing except your own understanding.
"""

import jax, jax.numpy as jnp
import numpy as np

NC = 100000
NP = 1000000
NV = 200000
D = 27
EPS = 1e-5


def _leaky_relu(x, slope=0.1):
    return jnp.where(x >= 0, x, slope * x)


def setup_inputs(seed: int = 0):
    key = jax.random.key(seed)
    ks = jax.random.split(key, 10)
    cluster_feature = jax.random.normal(ks[0], (NC, D), dtype=jnp.float32)
    cluster_voxel_idx = jax.random.randint(ks[1], (NC, 4), 0, 64)
    cluster_idx = jax.random.randint(ks[2], (NC,), 0, NV)
    points_feature = jax.random.normal(ks[3], (NP, D), dtype=jnp.float32)
    points_voxel_idx = jax.random.randint(ks[4], (NP, 4), 0, 64)
    points_idx = jax.random.randint(ks[5], (NP,), 0, NV)
    voxel_unique = jax.random.randint(ks[6], (NV, 4), 0, 64)
    # learned params of pf_down: Linear((D+20+4+3)*2 - D, D) = Linear(3*D, D) at D=27, + BatchNorm1d(D) (eval mode)
    W_down = jax.random.normal(ks[7], (3 * D, D), dtype=jnp.float32) * 0.05
    b_down = jnp.zeros((D,), jnp.float32)
    bn_gamma = jnp.ones((D,), jnp.float32)
    bn_beta = jnp.zeros((D,), jnp.float32)
    bn_mean = jnp.zeros((D,), jnp.float32)
    bn_var = jnp.ones((D,), jnp.float32)
    return {
        'cluster_feature': cluster_feature,
        'cluster_voxel_idx': cluster_voxel_idx,
        'cluster_idx': cluster_idx,
        'points_feature': points_feature,
        'points_voxel_idx': points_voxel_idx,
        'points_idx': points_idx,
        'voxel_unique': voxel_unique,
        'W_down': W_down,
        'b_down': b_down,
        'bn_gamma': bn_gamma,
        'bn_beta': bn_beta,
        'bn_mean': bn_mean,
        'bn_var': bn_var,
    }


def reference(cluster_feature, cluster_voxel_idx, cluster_idx, points_feature,
              points_voxel_idx, points_idx, voxel_unique,
              W_down, b_down, bn_gamma, bn_beta, bn_mean, bn_var):
    # cluster_comm: voxel_associate_unique = voxel_unique with batch column halved
    vau = voxel_unique.at[:, 0].set(voxel_unique[:, 0] // 2)
    K = 64
    keys = ((vau[:, 0] * K + vau[:, 1]) * K + vau[:, 2]) * K + vau[:, 3]
    uq, inv = jnp.unique(keys, return_inverse=True, size=keys.shape[0], fill_value=0)
    Na = int(uq.shape[0])
    cluster_associate_idx = inv[cluster_idx]
    points_associate_idx = inv[points_idx]
    # scatter_mean of cluster features over associate groups (empty segments -> 0)
    sums = jax.ops.segment_sum(cluster_feature, cluster_associate_idx, num_segments=Na)
    cnt = jax.ops.segment_sum(jnp.ones((cluster_feature.shape[0],), jnp.float32), cluster_associate_idx, num_segments=Na)
    cfa_all = jnp.where(cnt[:, None] > 0, sums / jnp.maximum(cnt[:, None], 1.0), 0.0)
    cluster_feature_associate = cfa_all[cluster_associate_idx]  # computed in torch code (unused downstream)
    points_feature_associate0 = cfa_all[points_associate_idx]
    # scatter-overwrite of cluster features into full voxel memory, then gather per point
    cluster_feature_all = jnp.zeros((voxel_unique.shape[0], cluster_feature.shape[1]), cluster_feature.dtype)
    cluster_feature_all = cluster_feature_all.at[cluster_idx].set(cluster_feature)
    points_feature_cluster = cluster_feature_all[points_idx]
    associate_mask = (points_feature_cluster - points_feature_associate0).sum(axis=1) > 0
    cat = jnp.concatenate([points_feature, points_feature_cluster, points_feature_associate0], axis=1)
    h = cat @ W_down + b_down
    h = (h - bn_mean) / jnp.sqrt(bn_var + EPS) * bn_gamma + bn_beta
    h = _leaky_relu(h, 0.1)
    updated = jnp.where(associate_mask[:, None], h, points_feature)
    # torch: if associate_mask.sum() <= 1 return points_feature unchanged
    out = jnp.where(associate_mask.sum() > 1, updated, points_feature)
    return out, associate_mask

if __name__ == "__main__":
    import jax
    _d = setup_inputs()
    print(jax.jit(kernel)(*tuple(_d.values())))

</pallas_src>

<mosaic_0001>
#map = affine_map<(d0, d1) -> (0)>
#map1 = affine_map<(d0, d1) -> (0, 0)>
module attributes {stable_mosaic.version = 14 : i64} {
  func.func @k(%arg0: i32, %arg1: i32, %arg2: memref<1000000xi32, #tpu.memory_space<hbm>>, %arg3: memref<800000x32xf32, #tpu.memory_space<hbm>>, %arg4: memref<800000x32xf32, #tpu.memory_space<hbm>>, %arg5: memref<200000xi32, #tpu.memory_space<hbm>>, %arg6: memref<1000000x32xf32, #tpu.memory_space<hbm>>, %arg7: memref<1000000x32xf32, #tpu.memory_space<hbm>>, %arg8: memref<800xi32, #tpu.memory_space<vmem>>, %arg9: memref<800xi32, #tpu.memory_space<vmem>>, %arg10: memref<800xi32, #tpu.memory_space<vmem>>, %arg11: memref<800xi32, #tpu.memory_space<vmem>>, %arg12: memref<800x32xf32, #tpu.memory_space<vmem>>, %arg13: memref<800x32xf32, #tpu.memory_space<vmem>>, %arg14: memref<!tpu.dma_semaphore, #tpu.memory_space<semaphore_mem>>) attributes {dimension_semantics = [#tpu.dimension_semantics<core_parallel>, #tpu.dimension_semantics<subcore_parallel>], iteration_bounds = array<i64: 2, 16>, scalar_prefetch = 0 : i64, scratch_operands = 7 : i64, tpu.core_type = #tpu.core_type<sc_vector_subcore>, window_params = [{transform_indices = #map}, {transform_indices = #map1}, {transform_indices = #map1}, {transform_indices = #map}, {transform_indices = #map1}, {transform_indices = #map1}]} {
    %mul3A = arith.constant 2 : i32
    %mul3A_0 = arith.muli %arg1, %mul3A : i32
    %add3A = arith.addi %mul3A_0, %arg0 : i32
    %scan3A = arith.constant 0 : i32
    %scan3A_1 = arith.constant 40 : i32
    %scan3A_2 = arith.addi %scan3A, %scan3A_1 : i32
    %scan3A_3 = arith.constant 1 : i32
    scf.for %scan3A_5 = %scan3A to %scan3A_2 step %scan3A_3  : i32 {
      %mul3A_6 = arith.constant 1 : i32
      %mul3A_7 = arith.muli %scan3A_5, %mul3A_6 : i32
      %add3A_8 = arith.constant 0 : i32
      %add3A_9 = arith.addi %add3A_8, %mul3A_7 : i32
      %mul3A_10 = arith.constant 32 : i32
      %mul3A_11 = arith.muli %mul3A_10, %add3A_9 : i32
      %add3A_12 = arith.addi %add3A, %mul3A_11 : i32
      %lt3A = arith.constant 1250 : i32
      %lt3A_13 = arith.cmpi slt, %add3A_12, %lt3A : i32
      %convert_element_type3A = arith.extui %lt3A_13 : i1 to i32
      %cond3A = arith.constant 0 : i32
      %cond3A_14 = arith.cmpi ne, %convert_element_type3A, %cond3A : i32
      scf.if %cond3A_14 {
        %mul3A_15 = arith.constant 800 : i32
        %mul3A_16 = arith.muli %add3A_12, %mul3A_15 : i32
        "tpu.region"() ({
          %run_scoped3A = tpu.sem_alloc : memref<!tpu.dma_semaphore, #tpu.memory_space<semaphore_mem>>
          %dma_start3A_41 = tpu.memref_slice %arg2[%mul3A_16] : memref<1000000xi32, #tpu.memory_space<hbm>> -> memref<800xi32, #tpu.memory_space<hbm>>
          %dma_start3A_42 = tpu.memref_slice %arg2[%mul3A_16] : memref<1000000xi32, #tpu.memory_space<hbm>> -> memref<800xi32, #tpu.memory_space<hbm>>
          tpu.enqueue_dma source(%dma_start3A_42 : memref<800xi32, #tpu.memory_space<hbm>>) target(%arg8 : memref<800xi32, #tpu.memory_space<vmem>>) target_semaphore(%run_scoped3A : memref<!tpu.dma_semaphore, #tpu.memory_space<semaphore_mem>>)
          %dma_wait3A_43 = tpu.memref_slice %arg2[%mul3A_16] : memref<1000000xi32, #tpu.memory_space<hbm>> -> memref<800xi32, #tpu.memory_space<hbm>>
          %dma_wait3A_44 = tpu.memref_slice %arg2[%mul3A_16] : memref<1000000xi32, #tpu.memory_space<hbm>> -> memref<800xi32, #tpu.memory_space<hbm>>
          tpu.wait_dma2 semaphore(%run_scoped3A : memref<!tpu.dma_semaphore, #tpu.memory_space<semaphore_mem>>) src(%dma_wait3A_44 : memref<800xi32, #tpu.memory_space<hbm>>) dst(%arg8 : memref<800xi32, #tpu.memory_space<vmem>>)
          tpu.yield
        }) : () -> ()
        %dma_start3A = arith.constant 0 : i32
        %dma_start3A_17 = tpu.memref_slice %arg5[%dma_start3A] : memref<200000xi32, #tpu.memory_space<hbm>> -> memref<200000xi32, #tpu.memory_space<hbm>>
        tpu.enqueue_indirect_dma source(%dma_start3A_17 : memref<200000xi32, #tpu.memory_space<hbm>>) target(%arg9 : memref<800xi32, #tpu.memory_space<vmem>>) offsets(%arg8 : memref<800xi32, #tpu.memory_space<vmem>>) semaphore(%arg14 : memref<!tpu.dma_semaphore, #tpu.memory_space<semaphore_mem>>)
        %dma_wait3A = arith.constant 0 : i32
        %dma_wait3A_18 = tpu.memref_slice %arg5[%dma_wait3A] : memref<200000xi32, #tpu.memory_space<hbm>> -> memref<200000xi32, #tpu.memory_space<hbm>>
        tpu.wait_indirect_dma semaphore(%arg14 : memref<!tpu.dma_semaphore, #tpu.memory_space<semaphore_mem>>) src(%dma_wait3A_18 : memref<200000xi32, #tpu.memory_space<hbm>>) dst(%arg9 : memref<800xi32, #tpu.memory_space<vmem>>)
        %scan3A_19 = arith.constant 0 : i32
        %scan3A_20 = arith.constant 50 : i32
        %scan3A_21 = arith.addi %scan3A_19, %scan3A_20 : i32
        %scan3A_22 = arith.constant 1 : i32
        scf.for %scan3A_41 = %scan3A_19 to %scan3A_21 step %scan3A_22  : i32 {
          %mul3A_42 = arith.constant 1 : i32
          %mul3A_43 = arith.muli %scan3A_41, %mul3A_42 : i32
          %add3A_44 = arith.constant 0 : i32
          %add3A_45 = arith.addi %add3A_44, %mul3A_43 : i32
          %mul3A_46 = arith.constant 16 : i32
          %mul3A_47 = arith.muli %add3A_45, %mul3A_46 : i32
          %get3A = arith.index_cast %mul3A_47 : i32 to index
          %get3A_48 = tpu.vector_load %arg8[%get3A] {strides = array<i32>} : memref<800xi32, #tpu.memory_space<vmem>>, vector<16xi32>,
          %get3A_49 = vector.shape_cast %get3A_48 : vector<16xi32> to vector<16xi32>
          %mul3A_50 = arith.constant 4 : i32
          %mul3A_51 = vector.broadcast %mul3A_50 : i32 to vector<16xi32>
          %mul3A_52 = arith.muli %get3A_49, %mul3A_51 : vector<16xi32>
          %swap3A = arith.index_cast %mul3A_47 : i32 to index
          %swap3A_53 = tpu.vector_load %arg10[%swap3A] {strides = array<i32>} : memref<800xi32, #tpu.memory_space<vmem>>, vector<16xi32>,
          %swap3A_54 = vector.shape_cast %swap3A_53 : vector<16xi32> to vector<16xi32>
          %swap3A_55 = vector.shape_cast %mul3A_52 : vector<16xi32> to vector<16xi32>
          tpu.vector_store %arg10[%swap3A], %swap3A_55 {strides = array<i32>} : memref<800xi32, #tpu.memory_space<vmem>>, vector<16xi32>,
        }
        %scan3A_23 = arith.constant 50 : i32
        %scan3A_24 = arith.constant 0 : i32
        %scan3A_25 = arith.constant 50 : i32
        %scan3A_26 = arith.addi %scan3A_24, %scan3A_25 : i32
        %scan3A_27 = arith.constant 1 : i32
        scf.for %scan3A_41 = %scan3A_24 to %scan3A_26 step %scan3A_27  : i32 {
          %mul3A_42 = arith.constant 1 : i32
          %mul3A_43 = arith.muli %scan3A_41, %mul3A_42 : i32
          %add3A_44 = arith.constant 0 : i32
          %add3A_45 = arith.addi %add3A_44, %mul3A_43 : i32
          %mul3A_46 = arith.constant 16 : i32
          %mul3A_47 = arith.muli %add3A_45, %mul3A_46 : i32
          %get3A = arith.index_cast %mul3A_47 : i32 to index
          %get3A_48 = tpu.vector_load %arg9[%get3A] {strides = array<i32>} : memref<800xi32, #tpu.memory_space<vmem>>, vector<16xi32>,
          %get3A_49 = vector.shape_cast %get3A_48 : vector<16xi32> to vector<16xi32>
          %mul3A_50 = arith.constant 4 : i32
          %mul3A_51 = vector.broadcast %mul3A_50 : i32 to vector<16xi32>
          %mul3A_52 = arith.muli %get3A_49, %mul3A_51 : vector<16xi32>
          %swap3A = arith.index_cast %mul3A_47 : i32 to index
          %swap3A_53 = tpu.vector_load %arg11[%swap3A] {strides = array<i32>} : memref<800xi32, #tpu.memory_space<vmem>>, vector<16xi32>,
          %swap3A_54 = vector.shape_cast %swap3A_53 : vector<16xi32> to vector<16xi32>
          %swap3A_55 = vector.shape_cast %mul3A_52 : vector<16xi32> to vector<16xi32>
          tpu.vector_store %arg11[%swap3A], %swap3A_55 {strides = array<i32>} : memref<800xi32, #tpu.memory_space<vmem>>, vector<16xi32>,
        }
        %scan3A_28 = arith.constant 50 : i32
        %dma_start3A_29 = arith.constant 0 : i32
        %dma_start3A_30 = arith.constant 0 : i32
        %dma_start3A_31 = tpu.memref_slice %arg3[%dma_start3A_29, %dma_start3A_30] : memref<800000x32xf32, #tpu.memory_space<hbm>> -> memref<800000x32xf32, #tpu.memory_space<hbm>>
        tpu.enqueue_indirect_dma source(%dma_start3A_31 : memref<800000x32xf32, #tpu.memory_space<hbm>>) target(%arg12 : memref<800x32xf32, #tpu.memory_space<vmem>>) offsets(%arg10 : memref<800xi32, #tpu.memory_space<vmem>>) semaphore(%arg14 : memref<!tpu.dma_semaphore, #tpu.memory_space<semaphore_mem>>)
        %dma_wait3A_32 = arith.constant 0 : i32
        %dma_wait3A_33 = arith.constant 0 : i32
        %dma_wait3A_34 = tpu.memref_slice %arg3[%dma_wait3A_32, %dma_wait3A_33] : memref<800000x32xf32, #tpu.memory_space<hbm>> -> memref<800000x32xf32, #tpu.memory_space<hbm>>
        tpu.wait_indirect_dma semaphore(%arg14 : memref<!tpu.dma_semaphore, #tpu.memory_space<semaphore_mem>>) src(%dma_wait3A_34 : memref<800000x32xf32, #tpu.memory_space<hbm>>) dst(%arg12 : memref<800x32xf32, #tpu.memory_space<vmem>>)
        %dma_start3A_35 = arith.constant 0 : i32
        %dma_start3A_36 = arith.constant 0 : i32
        %dma_start3A_37 = tpu.memref_slice %arg4[%dma_start3A_35, %dma_start3A_36] : memref<800000x32xf32, #tpu.memory_space<hbm>> -> memref<800000x32xf32, #tpu.memory_space<hbm>>
        tpu.enqueue_indirect_dma source(%dma_start3A_37 : memref<800000x32xf32, #tpu.memory_space<hbm>>) target(%arg13 : memref<800x32xf32, #tpu.memory_space<vmem>>) offsets(%arg11 : memref<800xi32, #tpu.memory_space<vmem>>) semaphore(%arg14 : memref<!tpu.dma_semaphore, #tpu.memory_space<semaphore_mem>>)
        %dma_wait3A_38 = arith.constant 0 : i32
        %dma_wait3A_39 = arith.constant 0 : i32
        %dma_wait3A_40 = tpu.memref_slice %arg4[%dma_wait3A_38, %dma_wait3A_39] : memref<800000x32xf32, #tpu.memory_space<hbm>> -> memref<800000x32xf32, #tpu.memory_space<hbm>>
        tpu.wait_indirect_dma semaphore(%arg14 : memref<!tpu.dma_semaphore, #tpu.memory_space<semaphore_mem>>) src(%dma_wait3A_40 : memref<800000x32xf32, #tpu.memory_space<hbm>>) dst(%arg13 : memref<800x32xf32, #tpu.memory_space<vmem>>)
        "tpu.region"() ({
          %run_scoped3A = tpu.sem_alloc : memref<!tpu.dma_semaphore, #tpu.memory_space<semaphore_mem>>
          %dma_start3A_41 = arith.constant 0 : i32
          %dma_start3A_42 = tpu.memref_slice %arg6[%mul3A_16, %dma_start3A_41] : memref<1000000x32xf32, #tpu.memory_space<hbm>> -> memref<800x32xf32, #tpu.memory_space<hbm>>
          %dma_start3A_43 = arith.constant 0 : i32
          %dma_start3A_44 = tpu.memref_slice %arg6[%mul3A_16, %dma_start3A_43] : memref<1000000x32xf32, #tpu.memory_space<hbm>> -> memref<800x32xf32, #tpu.memory_space<hbm>>
          tpu.enqueue_dma source(%arg12 : memref<800x32xf32, #tpu.memory_space<vmem>>) target(%dma_start3A_44 : memref<800x32xf32, #tpu.memory_space<hbm>>) target_semaphore(%run_scoped3A : memref<!tpu.dma_semaphore, #tpu.memory_space<semaphore_mem>>)
          %dma_wait3A_45 = arith.constant 0 : i32
          %dma_wait3A_46 = tpu.memref_slice %arg6[%mul3A_16, %dma_wait3A_45] : memref<1000000x32xf32, #tpu.memory_space<hbm>> -> memref<800x32xf32, #tpu.memory_space<hbm>>
          %dma_wait3A_47 = arith.constant 0 : i32
          %dma_wait3A_48 = tpu.memref_slice %arg6[%mul3A_16, %dma_wait3A_47] : memref<1000000x32xf32, #tpu.memory_space<hbm>> -> memref<800x32xf32, #tpu.memory_space<hbm>>
          tpu.wait_dma2 semaphore(%run_scoped3A : memref<!tpu.dma_semaphore, #tpu.memory_space<semaphore_mem>>) src(%arg12 : memref<800x32xf32, #tpu.memory_space<vmem>>) dst(%dma_wait3A_48 : memref<800x32xf32, #tpu.memory_space<hbm>>)
          tpu.yield
        }) : () -> ()
        "tpu.region"() ({
          %run_scoped3A = tpu.sem_alloc : memref<!tpu.dma_semaphore, #tpu.memory_space<semaphore_mem>>
          %dma_start3A_41 = arith.constant 0 : i32
          %dma_start3A_42 = tpu.memref_slice %arg7[%mul3A_16, %dma_start3A_41] : memref<1000000x32xf32, #tpu.memory_space<hbm>> -> memref<800x32xf32, #tpu.memory_space<hbm>>
          %dma_start3A_43 = arith.constant 0 : i32
          %dma_start3A_44 = tpu.memref_slice %arg7[%mul3A_16, %dma_start3A_43] : memref<1000000x32xf32, #tpu.memory_space<hbm>> -> memref<800x32xf32, #tpu.memory_space<hbm>>
          tpu.enqueue_dma source(%arg13 : memref<800x32xf32, #tpu.memory_space<vmem>>) target(%dma_start3A_44 : memref<800x32xf32, #tpu.memory_space<hbm>>) target_semaphore(%run_scoped3A : memref<!tpu.dma_semaphore, #tpu.memory_space<semaphore_mem>>)
          %dma_wait3A_45 = arith.constant 0 : i32
          %dma_wait3A_46 = tpu.memref_slice %arg7[%mul3A_16, %dma_wait3A_45] : memref<1000000x32xf32, #tpu.memory_space<hbm>> -> memref<800x32xf32, #tpu.memory_space<hbm>>
          %dma_wait3A_47 = arith.constant 0 : i32
          %dma_wait3A_48 = tpu.memref_slice %arg7[%mul3A_16, %dma_wait3A_47] : memref<1000000x32xf32, #tpu.memory_space<hbm>> -> memref<800x32xf32, #tpu.memory_space<hbm>>
          tpu.wait_dma2 semaphore(%run_scoped3A : memref<!tpu.dma_semaphore, #tpu.memory_space<semaphore_mem>>) src(%arg13 : memref<800x32xf32, #tpu.memory_space<vmem>>) dst(%dma_wait3A_48 : memref<800x32xf32, #tpu.memory_space<hbm>>)
          tpu.yield
        }) : () -> ()
      } else {
      }
    }
    %scan3A_4 = arith.constant 40 : i32
    return
  }
}

module attributes {stable_mosaic.version = 14 : i64} {
  func.func @_dense_body(%arg0: i32, %arg1: memref<4096x27xf32, #tpu.memory_space<vmem>>, %arg2: memref<1024x128xf32, #tpu.memory_space<vmem>>, %arg3: memref<1024x128xf32, #tpu.memory_space<vmem>>, %arg4: memref<81x27xf32, #tpu.memory_space<vmem>>, %arg5: memref<1x27xf32, #tpu.memory_space<vmem>>, %arg6: memref<1x27xf32, #tpu.memory_space<vmem>>, %arg7: memref<4096x27xf32, #tpu.memory_space<vmem>>, %arg8: memref<4096xi32, #tpu.memory_space<vmem>>) attributes {dimension_semantics = [#tpu.dimension_semantics<arbitrary>], iteration_bounds = array<i64: 245>, scalar_prefetch = 0 : i64, scratch_operands = 0 : i64, tpu.core_type = #tpu.core_type<tc>, window_params = [{transform_indices = @transform_0, window_bounds = array<i64: 4096, 27>}, {transform_indices = @transform_1, window_bounds = array<i64: 1024, 128>}, {transform_indices = @transform_2, window_bounds = array<i64: 1024, 128>}, {pipeline_mode = #tpu.pipeline_mode<synchronous>, transform_indices = @transform_3, window_bounds = array<i64: 81, 27>}, {pipeline_mode = #tpu.pipeline_mode<synchronous>, transform_indices = @transform_4, window_bounds = array<i64: 1, 27>}, {pipeline_mode = #tpu.pipeline_mode<synchronous>, transform_indices = @transform_5, window_bounds = array<i64: 1, 27>}, {transform_indices = @transform_6, window_bounds = array<i64: 4096, 27>}, {transform_indices = @transform_7, window_bounds = array<i64: 4096>}]} {
    %get3A = arith.constant 0 : index
    %get3A_0 = arith.constant 0 : index
    %get3A_1 = vector.load %arg1[%get3A, %get3A_0] : memref<4096x27xf32, #tpu.memory_space<vmem>>, vector<4096x27xf32>
    %get3A_2 = arith.constant 0 : index
    %get3A_3 = arith.constant 0 : index
    %get3A_4 = vector.load %arg2[%get3A_2, %get3A_3] : memref<1024x128xf32, #tpu.memory_space<vmem>>, vector<1024x128xf32>
    %iota3A = tpu.iota {dimensions = array<i32: 0>} : vector<4096x1xi32>
    %jit3A = arith.constant 4 : i32
    %eq3A = arith.constant 0 : i32
    %eq3A_5 = arith.cmpi eq, %jit3A, %eq3A : i32
    %jit3A_6 = arith.constant 1 : i32
    %select_n3A = arith.select %eq3A_5, %jit3A_6, %jit3A : i32
    %rem3A = vector.broadcast %select_n3A : i32 to vector<4096x1xi32>
    %rem3A_7 = arith.remsi %iota3A, %rem3A : vector<4096x1xi32>
    %ne3A = arith.constant 0 : i32
    %ne3A_8 = vector.broadcast %ne3A : i32 to vector<4096x1xi32>
    %ne3A_9 = arith.cmpi ne, %rem3A_7, %ne3A_8 : vector<4096x1xi32>
    %lt3A = arith.constant 0 : i32
    %lt3A_10 = vector.broadcast %lt3A : i32 to vector<4096x1xi32>
    %lt3A_11 = arith.cmpi slt, %rem3A_7, %lt3A_10 : vector<4096x1xi32>
    %lt3A_12 = arith.constant 0 : i32
    %lt3A_13 = arith.cmpi slt, %select_n3A, %lt3A_12 : i32
    %ne3A_14 = vector.broadcast %lt3A_13 : i1 to vector<4096x1xi1>
    %ne3A_15 = vector.broadcast %ne3A_14 : vector<4096x1xi1> to vector<4096x1xi1>
    %ne3A_16 = arith.xori %lt3A_11, %ne3A_15 : vector<4096x1xi1>
    %and3A = arith.andi %ne3A_16, %ne3A_9 : vector<4096x1xi1>
    %add3A = vector.broadcast %select_n3A : i32 to vector<4096x1xi32>
    %add3A_17 = arith.addi %rem3A_7, %add3A : vector<4096x1xi32>
    %select_n3A_18 = arith.select %and3A, %add3A_17, %rem3A_7 : vector<4096x1xi1>, vector<4096x1xi32>
    %slice3A = vector.extract_strided_slice %get3A_4 {offsets = [0, 0], sizes = [1024, 27], strides = [1, 1]} : vector<1024x128xf32> to vector<1024x27xf32>
    %broadcast_in_dim3A = vector.shape_cast %slice3A : vector<1024x27xf32> to vector<1024x1x27xf32>
    %broadcast_in_dim3A_19 = vector.broadcast %broadcast_in_dim3A : vector<1024x1x27xf32> to vector<1024x4x27xf32>
    %reshape3A = vector.shape_cast %broadcast_in_dim3A_19 : vector<1024x4x27xf32> to vector<4096x27xf32>
    %eq3A_20 = arith.constant 0 : i32
    %eq3A_21 = vector.broadcast %eq3A_20 : i32 to vector<4096x1xi32>
    %eq3A_22 = arith.cmpi eq, %select_n3A_18, %eq3A_21 : vector<4096x1xi32>
    %jit3A_23 = arith.constant 0.000000e+00 : f32
    %broadcast_in_dim3A_24 = vector.shape_cast %eq3A_22 : vector<4096x1xi1> to vector<4096x1xi1>
    %broadcast_in_dim3A_25 = vector.broadcast %broadcast_in_dim3A_24 : vector<4096x1xi1> to vector<4096x27xi1>
    %broadcast_in_dim3A_26 = vector.broadcast %jit3A_23 : f32 to vector<4096x27xf32>
    %select_n3A_27 = arith.select %broadcast_in_dim3A_25, %reshape3A, %broadcast_in_dim3A_26 : vector<4096x27xi1>, vector<4096x27xf32>
    %slice3A_28 = vector.extract_strided_slice %get3A_4 {offsets = [0, 32], sizes = [1024, 27], strides = [1, 1]} : vector<1024x128xf32> to vector<1024x27xf32>
    %broadcast_in_dim3A_29 = vector.shape_cast %slice3A_28 : vector<1024x27xf32> to vector<1024x1x27xf32>
    %broadcast_in_dim3A_30 = vector.broadcast %broadcast_in_dim3A_29 : vector<1024x1x27xf32> to vector<1024x4x27xf32>
    %reshape3A_31 = vector.shape_cast %broadcast_in_dim3A_30 : vector<1024x4x27xf32> to vector<4096x27xf32>
    %eq3A_32 = arith.constant 1 : i32
    %eq3A_33 = vector.broadcast %eq3A_32 : i32 to vector<4096x1xi32>
    %eq3A_34 = arith.cmpi eq, %select_n3A_18, %eq3A_33 : vector<4096x1xi32>
    %jit3A_35 = arith.constant 0.000000e+00 : f32
    %broadcast_in_dim3A_36 = vector.shape_cast %eq3A_34 : vector<4096x1xi1> to vector<4096x1xi1>
    %broadcast_in_dim3A_37 = vector.broadcast %broadcast_in_dim3A_36 : vector<4096x1xi1> to vector<4096x27xi1>
    %broadcast_in_dim3A_38 = vector.broadcast %jit3A_35 : f32 to vector<4096x27xf32>
    %select_n3A_39 = arith.select %broadcast_in_dim3A_37, %reshape3A_31, %broadcast_in_dim3A_38 : vector<4096x27xi1>, vector<4096x27xf32>
    %add3A_40 = arith.addf %select_n3A_27, %select_n3A_39 : vector<4096x27xf32>
    %slice3A_41 = vector.extract_strided_slice %get3A_4 {offsets = [0, 64], sizes = [1024, 27], strides = [1, 1]} : vector<1024x128xf32> to vector<1024x27xf32>
    %broadcast_in_dim3A_42 = vector.shape_cast %slice3A_41 : vector<1024x27xf32> to vector<1024x1x27xf32>
    %broadcast_in_dim3A_43 = vector.broadcast %broadcast_in_dim3A_42 : vector<1024x1x27xf32> to vector<1024x4x27xf32>
    %reshape3A_44 = vector.shape_cast %broadcast_in_dim3A_43 : vector<1024x4x27xf32> to vector<4096x27xf32>
    %eq3A_45 = arith.constant 2 : i32
    %eq3A_46 = vector.broadcast %eq3A_45 : i32 to vector<4096x1xi32>
    %eq3A_47 = arith.cmpi eq, %select_n3A_18, %eq3A_46 : vector<4096x1xi32>
    %jit3A_48 = arith.constant 0.000000e+00 : f32
    %broadcast_in_dim3A_49 = vector.shape_cast %eq3A_47 : vector<4096x1xi1> to vector<4096x1xi1>
    %broadcast_in_dim3A_50 = vector.broadcast %broadcast_in_dim3A_49 : vector<4096x1xi1> to vector<4096x27xi1>
    %broadcast_in_dim3A_51 = vector.broadcast %jit3A_48 : f32 to vector<4096x27xf32>
    %select_n3A_52 = arith.select %broadcast_in_dim3A_50, %reshape3A_44, %broadcast_in_dim3A_51 : vector<4096x27xi1>, vector<4096x27xf32>
    %add3A_53 = arith.addf %add3A_40, %select_n3A_52 : vector<4096x27xf32>
    %slice3A_54 = vector.extract_strided_slice %get3A_4 {offsets = [0, 96], sizes = [1024, 27], strides = [1, 1]} : vector<1024x128xf32> to vector<1024x27xf32>
    %broadcast_in_dim3A_55 = vector.shape_cast %slice3A_54 : vector<1024x27xf32> to vector<1024x1x27xf32>
    %broadcast_in_dim3A_56 = vector.broadcast %broadcast_in_dim3A_55 : vector<1024x1x27xf32> to vector<1024x4x27xf32>
    %reshape3A_57 = vector.shape_cast %broadcast_in_dim3A_56 : vector<1024x4x27xf32> to vector<4096x27xf32>
    %eq3A_58 = arith.constant 3 : i32
    %eq3A_59 = vector.broadcast %eq3A_58 : i32 to vector<4096x1xi32>
    %eq3A_60 = arith.cmpi eq, %select_n3A_18, %eq3A_59 : vector<4096x1xi32>
    %jit3A_61 = arith.constant 0.000000e+00 : f32
    %broadcast_in_dim3A_62 = vector.shape_cast %eq3A_60 : vector<4096x1xi1> to vector<4096x1xi1>
    %broadcast_in_dim3A_63 = vector.broadcast %broadcast_in_dim3A_62 : vector<4096x1xi1> to vector<4096x27xi1>
    %broadcast_in_dim3A_64 = vector.broadcast %jit3A_61 : f32 to vector<4096x27xf32>
    %select_n3A_65 = arith.select %broadcast_in_dim3A_63, %reshape3A_57, %broadcast_in_dim3A_64 : vector<4096x27xi1>, vector<4096x27xf32>
    %add3A_66 = arith.addf %add3A_53, %select_n3A_65 : vector<4096x27xf32>
    %get3A_67 = arith.constant 0 : index
    %get3A_68 = arith.constant 0 : index
    %get3A_69 = vector.load %arg3[%get3A_67, %get3A_68] : memref<1024x128xf32, #tpu.memory_space<vmem>>, vector<1024x128xf32>
    %iota3A_70 = tpu.iota {dimensions = array<i32: 0>} : vector<4096x1xi32>
    %jit3A_71 = arith.constant 4 : i32
    %eq3A_72 = arith.constant 0 : i32
    %eq3A_73 = arith.cmpi eq, %jit3A_71, %eq3A_72 : i32
    %jit3A_74 = arith.constant 1 : i32
    %select_n3A_75 = arith.select %eq3A_73, %jit3A_74, %jit3A_71 : i32
    %rem3A_76 = vector.broadcast %select_n3A_75 : i32 to vector<4096x1xi32>
    %rem3A_77 = arith.remsi %iota3A_70, %rem3A_76 : vector<4096x1xi32>
    %ne3A_78 = arith.constant 0 : i32
    %ne3A_79 = vector.broadcast %ne3A_78 : i32 to vector<4096x1xi32>
    %ne3A_80 = arith.cmpi ne, %rem3A_77, %ne3A_79 : vector<4096x1xi32>
    %lt3A_81 = arith.constant 0 : i32
    %lt3A_82 = vector.broadcast %lt3A_81 : i32 to vector<4096x1xi32>
    %lt3A_83 = arith.cmpi slt, %rem3A_77, %lt3A_82 : vector<4096x1xi32>
    %lt3A_84 = arith.constant 0 : i32
    %lt3A_85 = arith.cmpi slt, %select_n3A_75, %lt3A_84 : i32
    %ne3A_86 = vector.broadcast %lt3A_85 : i1 to vector<4096x1xi1>
    %ne3A_87 = vector.broadcast %ne3A_86 : vector<4096x1xi1> to vector<4096x1xi1>
    %ne3A_88 = arith.xori %lt3A_83, %ne3A_87 : vector<4096x1xi1>
    %and3A_89 = arith.andi %ne3A_88, %ne3A_80 : vector<4096x1xi1>
    %add3A_90 = vector.broadcast %select_n3A_75 : i32 to vector<4096x1xi32>
    %add3A_91 = arith.addi %rem3A_77, %add3A_90 : vector<4096x1xi32>
    %select_n3A_92 = arith.select %and3A_89, %add3A_91, %rem3A_77 : vector<4096x1xi1>, vector<4096x1xi32>
    %slice3A_93 = vector.extract_strided_slice %get3A_69 {offsets = [0, 0], sizes = [1024, 28], strides = [1, 1]} : vector<1024x128xf32> to vector<1024x28xf32>
    %broadcast_in_dim3A_94 = vector.shape_cast %slice3A_93 : vector<1024x28xf32> to vector<1024x1x28xf32>
    %broadcast_in_dim3A_95 = vector.broadcast %broadcast_in_dim3A_94 : vector<1024x1x28xf32> to vector<1024x4x28xf32>
    %reshape3A_96 = vector.shape_cast %broadcast_in_dim3A_95 : vector<1024x4x28xf32> to vector<4096x28xf32>
    %eq3A_97 = arith.constant 0 : i32
    %eq3A_98 = vector.broadcast %eq3A_97 : i32 to vector<4096x1xi32>
    %eq3A_99 = arith.cmpi eq, %select_n3A_92, %eq3A_98 : vector<4096x1xi32>
    %jit3A_100 = arith.constant 0.000000e+00 : f32
    %broadcast_in_dim3A_101 = vector.shape_cast %eq3A_99 : vector<4096x1xi1> to vector<4096x1xi1>
    %broadcast_in_dim3A_102 = vector.broadcast %broadcast_in_dim3A_101 : vector<4096x1xi1> to vector<4096x28xi1>
    %broadcast_in_dim3A_103 = vector.broadcast %jit3A_100 : f32 to vector<4096x28xf32>
    %select_n3A_104 = arith.select %broadcast_in_dim3A_102, %reshape3A_96, %broadcast_in_dim3A_103 : vector<4096x28xi1>, vector<4096x28xf32>
    %slice3A_105 = vector.extract_strided_slice %get3A_69 {offsets = [0, 32], sizes = [1024, 28], strides = [1, 1]} : vector<1024x128xf32> to vector<1024x28xf32>
    %broadcast_in_dim3A_106 = vector.shape_cast %slice3A_105 : vector<1024x28xf32> to vector<1024x1x28xf32>
    %broadcast_in_dim3A_107 = vector.broadcast %broadcast_in_dim3A_106 : vector<1024x1x28xf32> to vector<1024x4x28xf32>
    %reshape3A_108 = vector.shape_cast %broadcast_in_dim3A_107 : vector<1024x4x28xf32> to vector<4096x28xf32>
    %eq3A_109 = arith.constant 1 : i32
    %eq3A_110 = vector.broadcast %eq3A_109 : i32 to vector<4096x1xi32>
    %eq3A_111 = arith.cmpi eq, %select_n3A_92, %eq3A_110 : vector<4096x1xi32>
    %jit3A_112 = arith.constant 0.000000e+00 : f32
    %broadcast_in_dim3A_113 = vector.shape_cast %eq3A_111 : vector<4096x1xi1> to vector<4096x1xi1>
    %broadcast_in_dim3A_114 = vector.broadcast %broadcast_in_dim3A_113 : vector<4096x1xi1> to vector<4096x28xi1>
    %broadcast_in_dim3A_115 = vector.broadcast %jit3A_112 : f32 to vector<4096x28xf32>
    %select_n3A_116 = arith.select %broadcast_in_dim3A_114, %reshape3A_108, %broadcast_in_dim3A_115 : vector<4096x28xi1>, vector<4096x28xf32>
    %add3A_117 = arith.addf %select_n3A_104, %select_n3A_116 : vector<4096x28xf32>
    %slice3A_118 = vector.extract_strided_slice %get3A_69 {offsets = [0, 64], sizes = [1024, 28], strides = [1, 1]} : vector<1024x128xf32> to vector<1024x28xf32>
    %broadcast_in_dim3A_119 = vector.shape_cast %slice3A_118 : vector<1024x28xf32> to vector<1024x1x28xf32>
    %broadcast_in_dim3A_120 = vector.broadcast %broadcast_in_dim3A_119 : vector<1024x1x28xf32> to vector<1024x4x28xf32>
    %reshape3A_121 = vector.shape_cast %broadcast_in_dim3A_120 : vector<1024x4x28xf32> to vector<4096x28xf32>
    %eq3A_122 = arith.constant 2 : i32
    %eq3A_123 = vector.broadcast %eq3A_122 : i32 to vector<4096x1xi32>
    %eq3A_124 = arith.cmpi eq, %select_n3A_92, %eq3A_123 : vector<4096x1xi32>
    %jit3A_125 = arith.constant 0.000000e+00 : f32
    %broadcast_in_dim3A_126 = vector.shape_cast %eq3A_124 : vector<4096x1xi1> to vector<4096x1xi1>
    %broadcast_in_dim3A_127 = vector.broadcast %broadcast_in_dim3A_126 : vector<4096x1xi1> to vector<4096x28xi1>
    %broadcast_in_dim3A_128 = vector.broadcast %jit3A_125 : f32 to vector<4096x28xf32>
    %select_n3A_129 = arith.select %broadcast_in_dim3A_127, %reshape3A_121, %broadcast_in_dim3A_128 : vector<4096x28xi1>, vector<4096x28xf32>
    %add3A_130 = arith.addf %add3A_117, %select_n3A_129 : vector<4096x28xf32>
    %slice3A_131 = vector.extract_strided_slice %get3A_69 {offsets = [0, 96], sizes = [1024, 28], strides = [1, 1]} : vector<1024x128xf32> to vector<1024x28xf32>
    %broadcast_in_dim3A_132 = vector.shape_cast %slice3A_131 : vector<1024x28xf32> to vector<1024x1x28xf32>
    %broadcast_in_dim3A_133 = vector.broadcast %broadcast_in_dim3A_132 : vector<1024x1x28xf32> to vector<1024x4x28xf32>
    %reshape3A_134 = vector.shape_cast %broadcast_in_dim3A_133 : vector<1024x4x28xf32> to vector<4096x28xf32>
    %eq3A_135 = arith.constant 3 : i32
    %eq3A_136 = vector.broadcast %eq3A_135 : i32 to vector<4096x1xi32>
    %eq3A_137 = arith.cmpi eq, %select_n3A_92, %eq3A_136 : vector<4096x1xi32>
    %jit3A_138 = arith.constant 0.000000e+00 : f32
    %broadcast_in_dim3A_139 = vector.shape_cast %eq3A_137 : vector<4096x1xi1> to vector<4096x1xi1>
    %broadcast_in_dim3A_140 = vector.broadcast %broadcast_in_dim3A_139 : vector<4096x1xi1> to vector<4096x28xi1>
    %broadcast_in_dim3A_141 = vector.broadcast %jit3A_138 : f32 to vector<4096x28xf32>
    %select_n3A_142 = arith.select %broadcast_in_dim3A_140, %reshape3A_134, %broadcast_in_dim3A_141 : vector<4096x28xi1>, vector<4096x28xf32>
    %add3A_143 = arith.addf %add3A_130, %select_n3A_142 : vector<4096x28xf32>
    %slice3A_144 = vector.extract_strided_slice %add3A_143 {offsets = [0, 0], sizes = [4096, 27], strides = [1, 1]} : vector<4096x28xf32> to vector<4096x27xf32>
    %slice3A_145 = vector.extract_strided_slice %add3A_143 {offsets = [0, 27], sizes = [4096, 1], strides = [1, 1]} : vector<4096x28xf32> to vector<4096x1xf32>
    %gt3A = arith.constant 0.000000e+00 : f32
    %gt3A_146 = vector.broadcast %gt3A : f32 to vector<4096x1xf32>
    %gt3A_147 = arith.cmpf ogt, %slice3A_145, %gt3A_146 : vector<4096x1xf32>
    %max3A = arith.constant 1.000000e+00 : f32
    %max3A_148 = vector.broadcast %max3A : f32 to vector<4096x1xf32>
    %max3A_149 = arith.maximumf %slice3A_145, %max3A_148 : vector<4096x1xf32>
    %div3A = vector.broadcast %max3A_149 : vector<4096x1xf32> to vector<4096x27xf32>
    %div3A_150 = arith.divf %slice3A_144, %div3A : vector<4096x27xf32>
    %jit3A_151 = arith.constant 0.000000e+00 : f32
    %broadcast_in_dim3A_152 = vector.shape_cast %gt3A_147 : vector<4096x1xi1> to vector<4096x1xi1>
    %broadcast_in_dim3A_153 = vector.broadcast %broadcast_in_dim3A_152 : vector<4096x1xi1> to vector<4096x27xi1>
    %broadcast_in_dim3A_154 = vector.broadcast %jit3A_151 : f32 to vector<4096x27xf32>
    %select_n3A_155 = arith.select %broadcast_in_dim3A_153, %div3A_150, %broadcast_in_dim3A_154 : vector<4096x27xi1>, vector<4096x27xf32>
    %concatenate3A = tpu.concatenate %get3A_1, %add3A_66, %select_n3A_155 in 1 : vector<4096x27xf32>, vector<4096x27xf32>, vector<4096x27xf32> -> vector<4096x81xf32>
    %get3A_156 = arith.constant 0 : index
    %get3A_157 = arith.constant 0 : index
    %get3A_158 = vector.load %arg4[%get3A_156, %get3A_157] : memref<81x27xf32, #tpu.memory_space<vmem>>, vector<81x27xf32>
    %dot_general3A = arith.constant dense<0.000000e+00> : vector<4096x27xf32>
    %dot_general3A_159 = tpu.matmul %concatenate3A, %get3A_158, %dot_general3A {dimension_numbers = #tpu.dot_dimension_numbers<[1], [0], [0], [1], [0, 0, 1, 1], [], []>, transpose_lhs_hint = false} : vector<4096x81xf32>, vector<81x27xf32>, vector<4096x27xf32> -> vector<4096x27xf32>
    %get3A_160 = arith.constant 0 : index
    %get3A_161 = arith.constant 0 : index
    %get3A_162 = vector.load %arg5[%get3A_160, %get3A_161] : memref<1x27xf32, #tpu.memory_space<vmem>>, vector<1x27xf32>
    %mul3A = vector.broadcast %get3A_162 : vector<1x27xf32> to vector<4096x27xf32>
    %mul3A_163 = arith.mulf %dot_general3A_159, %mul3A : vector<4096x27xf32>
    %get3A_164 = arith.constant 0 : index
    %get3A_165 = arith.constant 0 : index
    %get3A_166 = vector.load %arg6[%get3A_164, %get3A_165] : memref<1x27xf32, #tpu.memory_space<vmem>>, vector<1x27xf32>
    %add3A_167 = vector.broadcast %get3A_166 : vector<1x27xf32> to vector<4096x27xf32>
    %add3A_168 = arith.addf %mul3A_163, %add3A_167 : vector<4096x27xf32>
    %ge3A = arith.constant 0.000000e+00 : f32
    %ge3A_169 = vector.broadcast %ge3A : f32 to vector<4096x27xf32>
    %ge3A_170 = arith.cmpf oge, %add3A_168, %ge3A_169 : vector<4096x27xf32>
    %mul3A_171 = arith.constant 1.000000e-01 : f32
    %mul3A_172 = vector.broadcast %mul3A_171 : f32 to vector<4096x27xf32>
    %mul3A_173 = arith.mulf %mul3A_172, %add3A_168 : vector<4096x27xf32>
    %select_n3A_174 = arith.select %ge3A_170, %add3A_168, %mul3A_173 : vector<4096x27xi1>, vector<4096x27xf32>
    %sub3A = arith.subf %add3A_66, %select_n3A_155 : vector<4096x27xf32>
    %reduce_sum3A = arith.constant dense<0.000000e+00> : vector<4096xf32>
    %reduce_sum3A_175 = vector.multi_reduction <add>, %sub3A, %reduce_sum3A [1] : vector<4096x27xf32> to vector<4096xf32>
    %gt3A_176 = arith.constant 0.000000e+00 : f32
    %gt3A_177 = vector.broadcast %gt3A_176 : f32 to vector<4096xf32>
    %gt3A_178 = arith.cmpf ogt, %reduce_sum3A_175, %gt3A_177 : vector<4096xf32>
    %broadcast_in_dim3A_179 = vector.shape_cast %gt3A_178 : vector<4096xi1> to vector<4096x1xi1>
    %broadcast_in_dim3A_180 = vector.shape_cast %broadcast_in_dim3A_179 : vector<4096x1xi1> to vector<4096x1xi1>
    %broadcast_in_dim3A_181 = vector.broadcast %broadcast_in_dim3A_180 : vector<4096x1xi1> to vector<4096x27xi1>
    %select_n3A_182 = arith.select %broadcast_in_dim3A_181, %select_n3A_174, %get3A_1 : vector<4096x27xi1>, vector<4096x27xf32>
    %swap3A = arith.constant 0 : index
    %swap3A_183 = arith.constant 0 : index
    %swap3A_184 = vector.load %arg7[%swap3A, %swap3A_183] : memref<4096x27xf32, #tpu.memory_space<vmem>>, vector<4096x27xf32>
    tpu.vector_store %arg7[%swap3A, %swap3A_183], %select_n3A_182 {strides = array<i32>} : memref<4096x27xf32, #tpu.memory_space<vmem>>, vector<4096x27xf32>,
    %convert_element_type3A = arith.extui %gt3A_178 : vector<4096xi1> to vector<4096xi32>
    %swap3A_185 = arith.constant 0 : index
    %swap3A_186 = vector.load %arg8[%swap3A_185] : memref<4096xi32, #tpu.memory_space<vmem>>, vector<4096xi32>
    tpu.vector_store %arg8[%swap3A_185], %convert_element_type3A {strides = array<i32>} : memref<4096xi32, #tpu.memory_space<vmem>>, vector<4096xi32>,
    return
  }
  func.func @transform_0(%arg0: i32) -> (i32, i32) {
    %c0_i32 = arith.constant 0 : i32
    %c0_i32_0 = arith.constant 0 : i32
    return %arg0, %c0_i32 : i32, i32
  }
  func.func @transform_1(%arg0: i32) -> (i32, i32) {
    %c0_i32 = arith.constant 0 : i32
    %c0_i32_0 = arith.constant 0 : i32
    return %arg0, %c0_i32 : i32, i32
  }
  func.func @transform_2(%arg0: i32) -> (i32, i32) {
    %c0_i32 = arith.constant 0 : i32
    %c0_i32_0 = arith.constant 0 : i32
    return %arg0, %c0_i32 : i32, i32
  }
  func.func @transform_3(%arg0: i32) -> (i32, i32) {
    %c0_i32 = arith.constant 0 : i32
    %c0_i32_0 = arith.constant 0 : i32
    %c0_i32_1 = arith.constant 0 : i32
    return %c0_i32, %c0_i32_0 : i32, i32
  }
  func.func @transform_4(%arg0: i32) -> (i32, i32) {
    %c0_i32 = arith.constant 0 : i32
    %c0_i32_0 = arith.constant 0 : i32
    %c0_i32_1 = arith.constant 0 : i32
    return %c0_i32, %c0_i32_0 : i32, i32
  }
  func.func @transform_5(%arg0: i32) -> (i32, i32) {
    %c0_i32 = arith.constant 0 : i32
    %c0_i32_0 = arith.constant 0 : i32
    %c0_i32_1 = arith.constant 0 : i32
    return %c0_i32, %c0_i32_0 : i32, i32
  }
  func.func @transform_6(%arg0: i32) -> (i32, i32) {
    %c0_i32 = arith.constant 0 : i32
    %c0_i32_0 = arith.constant 0 : i32
    return %arg0, %c0_i32 : i32, i32
  }
  func.func @transform_7(%arg0: i32) -> i32 {
    %c0_i32 = arith.constant 0 : i32
    return %arg0 : i32
  }
}

</mosaic_0001>

<sc_bundles>
// kernel: gather_offload_async_start.1
scs
__scs_entry_jumppad:
0x0: {  	(pc) =	sbr.rel $0x88, $3  }
0x1: {  	(tag) =	ssettag $0x0;
	lr =	simm.s32 $0x1  }
0x2: {  	[smem:$0x3F96] =	sst lr;
	_ =	strace $0xD0000000  }
0x3: {  	_ = 	snop  }
0x4: {  	_ = 	snop  }
0x5: {  	_ = 	snop  }
0x6: {  	_ = 	snop  }
0x7: {  	_ = 	snop  }
__scs_overlays_trampoline_lowered:
0x8: {  	[smem:$0x3FA5] =	sst s0  }
0x9: {  	[smem:$0x3FA6] =	sst s1  }
0xa: {  	[smem:$0x3FA7] =	sst s2  }
0xb: {  	[smem:$0x3FA8] =	sst s3  }
0xc: {  	[smem:$0x3FA9] =	sst s4  }
0xd: {  	[smem:$0x3FAA] =	sst s5  }
0xe: {  	[smem:$0x3FAB] =	sst s6  }
0xf: {  	[smem:$0x3FAC] =	sst s7  }
0x10: {  	[smem:$0x3FAD] =	sst s8  }
0x11: {  	[smem:$0x3FAE] =	sst s9;
	s0 =	simm.s32 @!p0 $0x0  }
0x12: {  	s1 =	sld [smem:$0x3F94];
	s0 =	simm.s32 @p0 $0x1  }
0x13: {  	[smem:$0x3FAF] =	sst s0;
	s0 =	simm.s32 @!p1 $0x0  }
0x14: {  	s2 =	sld [smem:$0x3F93];
	s0 =	simm.s32 @p1 $0x1  }
0x15: {  	[smem:$0x3FB0] =	sst s0;
	s0 =	simm.s32 @!p2 $0x0  }
0x16: {  	s3 =	sld [smem:$0x3FDB];
	s0 =	simm.s32 @p2 $0x1  }
0x17: {  	s4 =	simm.s32 $0x1BF5;
	[smem:$0x3FB2] =	sst s0  }
0x18: {  	s0 =	sld [smem:$0x3F95];
	_ =	swait.ge [sflag:s4], $0x0  }
0x19: {  	s7 =	sld [smem:$0x3F96]  }
0x1a: {  	s8 =	sadd.s32 $0xFFFFE003, lr  }
0x1b: {  	s9 =	sadd.s32 $0xFFFFFEF7, lr;
	s5 =	simm.s32 $0xFFFFFFFF;
	p2 =	slt.u32 s8, $0xFFFFF086  }
0x1c: {  	p1 =	slt.u32 s9, $0xF7A;
	s5 =	simm.s32 @!p2 $0x0  }
0x1d: {  	s5 =	simm.s32 @p1 $0x1;
	p0 =	seq.s32 s7, s2  }
0x1e: {  	s7 =	smul.u32 @!p0 $0xF7A, s2;
	p2 =	seq.s32 @!p0 s5, $0x0  }
0x1f: {  	s9 =	smul.u32 $0xF7A, s1;
	s8 =	simm.s32 @!p0 $0x1BF5;
	p2 =	por !p2, p0  }
0x20: {  	[sflag:s8] =	ssyncset.s32 @!p0 $0xFFFFF086;
	s6 =	sadd.s32 @!p0 s3, s7;
	s7 =	simm.s32 @!p0 $0x108  }
0x21: {  	s3 =	sadd.s32 s3, s9;
	s6 =	sadd.s32 @!p0 $0x88, s6;
	s7 =	simm.s32 @p2 $0x1082  }
0x22: {  	[simem:s7], [sflag:s8] =	dma.local @!p0 [hbm:s6], $0xF7A  }
0x23: {  	s9 =	sor.u32 $0xD0000000, s2;
	s6 =	simm.s32 $0x108;
	_ =	swait.ge @!p0 [sflag:s8], $0x0  }
0x24: {  	s3 =	sadd.s32 $0x88, s3;
	s6 =	simm.s32 @!p1 $0x1082;
	[sflag:s4] =	ssyncset.s32 $0xFFFFF086  }
0x25: {  	[simem:s6], [sflag:s4] =	dma.local [hbm:s3], $0xF7A  }
0x26: {  	[smem:$0x3F96] =	sst s1;
	(tag) =	ssettag s2;
	_ =	strace s9  }
0x27: {  	s1 =	sld [smem:$0x3FA6]  }
0x28: {  	s2 =	sld [smem:$0x3FA7]  }
0x29: {  	s4 =	sld [smem:$0x3FA9]  }
0x2a: {  	p0 =	seq.s32 s5, $0x0;
	s5 =	sld [smem:$0x3FAA]  }
0x2b: {  	s6 =	sld [smem:$0x3FAB]  }
0x2c: {  	s7 =	sld [smem:$0x3FAC]  }
0x2d: {  	s3 =	simm.s32 $0x108;
	s8 =	sld [smem:$0x3FAD]  }
0x2e: {  	s3 =	simm.s32 @!p0 $0x1082;
	s9 =	sld [smem:$0x3FAE]  }
0x2f: {  	lr =	sadd.s32 s0, s3;
	s0 =	sld [smem:$0x3FA5]  }
0x30: {  	s3 =	sld [smem:$0x3FA8]  }
0x31: {  	[smem:$0x3FB1] =	sst s10  }
0x32: {  	s10 =	sld [smem:$0x3FAF];
	_ =	sdelay $0x3  }
0x33: {  	p0 =	seq.s32 s10, $0x1;
	s10 =	sld [smem:$0x3FB1];
	_ =	sdelay $0x3  }
0x34: {  	[smem:$0x3FB1] =	sst s10  }
0x35: {  	s10 =	sld [smem:$0x3FB0];
	_ =	sdelay $0x3  }
0x36: {  	p1 =	seq.s32 s10, $0x1;
	s10 =	sld [smem:$0x3FB1];
	_ =	sdelay $0x3  }
0x37: {  	[smem:$0x3FB1] =	sst s10  }
0x38: {  	s10 =	sld [smem:$0x3FB2]  }
0x39: {  	_ = 	snop;
	(pc) =	sbr.ind lr, $3  }
0x3a: {  	_ = 	snop  }
0x3b: {  	_ = 	snop  }
0x3c: {  	p2 =	seq.s32 s10, $0x1;
	s10 =	sld [smem:$0x3FB1]  }
0x3d: {  	_ =	shalt  }
0x3e: {  	_ =	shalt  }
0x3f: {  	_ =	shalt  }
0x40: {  	_ =	shalt  }
0x41: {  	_ =	shalt  }
0x42: {  	_ =	shalt  }
0x43: {  	_ =	shalt  }
0x44: {  	_ =	shalt  }
0x45: {  	_ =	shalt  }
0x46: {  	_ =	shalt  }
0x47: {  	_ =	shalt  }
0x48: {  	_ =	shalt  }
0x49: {  	_ =	shalt  }
0x4a: {  	_ =	shalt  }
0x4b: {  	_ =	shalt  }
0x4c: {  	_ =	shalt  }
0x4d: {  	_ =	shalt  }
0x4e: {  	_ =	shalt  }
0x4f: {  	_ =	shalt  }
0x50: {  	_ =	shalt  }
0x51: {  	_ =	shalt  }
0x52: {  	_ =	shalt  }
0x53: {  	_ =	shalt  }
0x54: {  	_ =	shalt  }
0x55: {  	_ =	shalt  }
0x56: {  	_ =	shalt  }
0x57: {  	_ =	shalt  }
0x58: {  	_ =	shalt  }
0x59: {  	_ =	shalt  }
0x5a: {  	_ =	shalt  }
0x5b: {  	_ =	shalt  }
0x5c: {  	_ =	shalt  }
0x5d: {  	_ =	shalt  }
0x5e: {  	_ =	shalt  }
0x5f: {  	_ =	shalt  }
0x60: {  	_ =	shalt  }
0x61: {  	_ =	shalt  }
0x62: {  	_ =	shalt  }
0x63: {  	_ =	shalt  }
0x64: {  	_ =	shalt  }
0x65: {  	_ =	shalt  }
0x66: {  	_ =	shalt  }
0x67: {  	_ =	shalt  }
0x68: {  	_ =	shalt  }
0x69: {  	_ =	shalt  }
0x6a: {  	_ =	shalt  }
0x6b: {  	_ =	shalt  }
0x6c: {  	_ =	shalt  }
0x6d: {  	_ =	shalt  }
0x6e: {  	_ =	shalt  }
0x6f: {  	_ =	shalt  }
0x70: {  	_ =	shalt  }
0x71: {  	_ =	shalt  }
0x72: {  	_ =	shalt  }
0x73: {  	_ =	shalt  }
0x74: {  	_ =	shalt  }
0x75: {  	_ =	shalt  }
0x76: {  	_ =	shalt  }
0x77: {  	_ =	shalt  }
0x78: {  	_ =	shalt  }
0x79: {  	_ =	shalt  }
0x7a: {  	_ =	shalt  }
0x7b: {  	_ =	shalt  }
0x7c: {  	_ =	shalt  }
0x7d: {  	_ =	shalt  }
0x7e: {  	_ =	shalt  }
0x7f: {  	_ =	shalt  }
0x80: {  	_ =	shalt  }
0x81: {  	_ =	shalt  }
0x82: {  	_ =	shalt  }
0x83: {  	_ =	shalt  }
0x84: {  	_ =	shalt  }
0x85: {  	_ =	shalt  }
0x86: {  	_ =	shalt  }
0x87: {  	_ =	shalt  }
.Lfunc_end0:
.L_simem_size_0:
called_computation.2_lowered:
.L_overlay_start_0:
0x88: {  	s2 =	sld [smem:$0x3FD9]  }
0x89: {  	s3 =	sld [smem:$0x3FFE];
	_ =	sdelay $0x1  }
0x8a: {  	s1 =	srdreg.scid  }
0x8b: {  	s0 =	sand.u32 $0x1, s1  }
0x8c: {  	s14 =	sshll.u32 s0, $0xA;
	s2 =	sadd.s32 s3, s2  }
0x8d: {  	s2 =	sadd.s32 s2, s14  }
0x8e: {  	[smem:$0x3FBD] =	sst s2  }
0x8f: {  	_ = 	snop  }
0x90: {  	s2 =	sld [smem:$0x3FD0];
	_ =	sdelay $0x2  }
0x91: {  	s15 =	simm.s32 $0xA;
	s4 =	simm.s32 $0x10  }
0x92: {  	[smem:s4], [sflag:s15] =	dma.local [hbm:s2], $0x1  }
0x93: {  	_ =	swait.eq [sflag:s15], $0x1  }
0x94: {  	[sflag:s15] =	ssyncset.done $0x0  }
0x95: {  	[sflag:s15] =	ssyncadd.s32 $0xFFFFFFFF  }
0x96: {  	s16 =	sld [smem:$0x11];
	(tm) =	ssettm $0x1  }
0x97: {  	s17 =	sld [smem:$0x3FFB];
	_ =	sdelay $0x3  }
0x98: {  	_ =	strace s17  }
0x99: {  	s3 =	sld [smem:$0x3FFC];
	_ =	sdelay $0x3  }
0x9a: {  	_ =	strace s3  }
0x9b: {  	s3 =	sld [smem:$0x3FFD];
	_ =	sdelay $0x3  }
0x9c: {  	_ =	strace s3  }
0x9d: {  	_ =	strace $0x8FFFFFFF  }
0x9e: {  	s18 =	sld [smem:$0x3FDB];
	_ =	sdelay $0x1  }
0x9f: {  	s19 =	simm.s32 $_scs_section_size  }
0xa0: {  	s5 =	simm.s32 $_size__tile_overlayer_lowered;
	s6 =	simm.s32 $_tile_overlayer_lowered  }
0xa1: {  	s22 =	simm.s32 $0x1BFF;
	s21 =	sshll.u32 s6, $0x1;
	s3 =	sadd.s32 s19, s18  }
0xa2: {  	s7 =	simm.s32 $0x0;
	s20 =	sshll.u32 s5, $0x1;
	s5 =	sadd.s32 s21, s3  }
0xa3: {  	[timem:s7], [sflag:s22] =	dma.local [hbm:s5], s20  }
0xa4: {  	_ =	swait.ge [sflag:s22], s20  }
0xa5: {  	s4 =	ssub.s32 $0x0, s20;
	[sflag:s22] =	ssyncset.done $0x0  }
0xa6: {  	[sflag:s22] =	ssyncadd.s32 s4;
	_ =	sdelay $0x1  }
0xa7: {  	s23 =	simm.s32 $0x1B8B  }
0xa8: {  	_ =	swait.ge [sflag:s23], $0x1  }
0xa9: {  	[sflag:s23] =	ssyncset.done $0x0  }
0xaa: {  	s25 =	simm.s32 $0x1B8E;
	s24 =	sld [smem:$0x3FFE];
	[sflag:s23] =	ssyncadd.s32 $0xFFFFFFFF  }
0xab: {  	s26 =	simm.s32 $execute0_lowered;
	[smem:$0x3FD2] =	sst s25  }
0xac: {  	s5 =	sshll.u32 s26, $0x1;
	_ =	strace $0x80000049;
	[dreg:$0x1] =	wrdreg $0xFFFFFFFF  }
0xad: {  	s28 =	simm.s32 $_size_execute0_lowered;
	s3 =	sadd.s32 s3, s5;
	[dreg:$0x0] =	wrdreg $0x0  }
0xae: {  	s5 =	sshll.u32 s28, $0x1;
	[dreg:$0x2] =	wrdreg s3  }
0xaf: {  	[dreg:$0x3] =	wrdreg s5  }
0xb0: {  	[dreg:$0x4] =	wrdreg $0xC0  }
0xb1: {  	_ =	task [dreg:s7], $0x5FFFF  }
0xb2: {  	[dreg:$0x1] =	wrdreg $0xFFFFFFFF  }
0xb3: {  	[dreg:$0x0] =	wrdreg $0x60  }
0xb4: {  	[dreg:$0x2] =	wrdreg s24  }
0xb5: {  	[dreg:$0x3] =	wrdreg s16  }
0xb6: {  	[dreg:$0x4] =	wrdreg $0x9  }
0xb7: {  	_ =	task.clear_ibuf [dreg:s7], $0x5FFFF;
	_ =	strace $0x90000049  }
0xb8: {  	s29 =	simm.s32 $0x9;
	_ =	strace $0x8000004B  }
0xb9: {  	_ =	swait.ge [sflag:s29], $0x1  }
0xba: {  	[sflag:s29] =	ssyncadd.s32 $0xFFFFFFFF  }
0xbb: {  	_ =	strace $0x9000004B  }
0xbc: {  	_ =	sfence  }
0xbd: {  	s30 =	sld [smem:$0x0];
	_ =	sdelay $0x2  }
0xbe: {  	s31 =	sshll.u32 s1, $0xD;
	s1 =	sshrl.u32 s1, $0x2  }
0xbf: {  	s3 =	sand.u32 $0x4000, s31;
	s1 =	sadd.s32 s1, s30  }
0xc0: {  	s0 =	sor.u32 s3, s0;
	s1 =	sshll.u32 s1, $0x11  }
0xc1: {  	s0 =	sor.u32 s1, s0  }
0xc2: {  	s0 =	sadd.s32 $0x8F2B, s0  }
0xc3: {  	[sflag:s0] =	ssyncadd.remote.s32 $0x1  }
0xc4: {  	_ =	sfence.sel $0xFFFF  }
0xc5: {  	[dreg:$0x0] =	wrdreg $0xFFFFFFFF;
	(pc) =	sbr.abs _section_cstart, $3  }
0xc6: {  	[dreg:$0x1] =	wrdreg $0xFFFFFFFF  }
0xc7: {  	_ =	task.clear_ibuf [dreg:s7], $0x2FFFF;
	_ =	strace $0x9FFFFFFF  }
0xc8: {  	(tm) =	ssettm $0x7FFFFFFF  }
0xc9: {  	_ =	shalt  }
tec
execute0_lowered:
.L_overlay_start_1:
0x0: {  	(tag) =	ssettag $0x1  }
0x1: {  	s8 =	rddreg [dreg:$0x0]  }
0x2: {  	s2 =	rddreg [dreg:$0x1]  }
0x3: {  	s0 =	rddreg [dreg:$0x2];
	s1 =	stileid.u32  }
0x4: {  	s3 =	srdreg.scid;
	_ =	strace $0x8000004A;
	s4 =	simm.s32 $0x1  }
0x5: {  	s7 =	simm.s32 $0x1;
	s9 =	simm.s32 $0x1;
	s10 =	simm.s32 $0x3  }
0x6: {  	s13 =	simm.s32 $0x0;
	s5 =	sand.u32 $0x1, s3;
	s6 =	sshll.u32 s1, $0x1  }
0x7: {  	s12 =	simm.s32 $0x0;
	s3 =	sadd.s32 $0x106800, s8;
	s5 =	sor.u32 s6, s5  }
.Ltmp0:
0x8: {  	[sflag:s4] =	ssyncpa.u1 $0x0;
	p0 =	slt.u32 s5, $0x13;
	(pc) =	sbr.rel .LBB2_1-.Ltmp0, $4  }
0x9: {  	s6 =	simm.s32 $0x2;
	s7 =	simm.s32 @!p0 $0x0;
	p0 =	sne.s32 s5, $0x12  }
0xa: {  	[sflag:s6] =	ssyncpa.u1 $0x0;
	s5 =	smul.u32 $0x7D0, s5;
	s9 =	simm.s32 @!p0 $0x0  }
0xb: {  	s8 =	sadd.s32 $0x3600, s8;
	[sflag:s10] =	ssyncpa.u1 $0x0;
	s7 =	sadd.s32 s9, s7  }
0xc: {  	vm0 =	vmmov $0xffff;
	s10 =	simm.s32 $0x0;
	s11 =	smov.u32 s5;
	s9 =	sadd.s32 $0x1, s7  }
.LBB2_4:
0xd: {  	v2 =	vnsel vm1, $0x0, v2  }
0xe: {  	vm1 =	vgt.s32 v0, $0x0;
	v2 =	vmin.u32 v2, $0x30D3F  }
0xf: {  	v0 =	vnsel vm1, $0x0, v0  }
0x10: {  	v0 =	vmin.u32 v0, $0x30D3F  }
0x11: {  	[tilespmem:s18], [sflag:$0x1] =	stream.indirect_vreg.gather [hbm4b:s3+s10], $0x1, v1, vm0, $0x4038;
	[tilespmem:$0x1F40] =	vst v63  }
0x12: {  	(ifvalue) =	ssetifvalue $0x7FFFFFFF  }
0x13: {  	[tilespmem:s15], [sflag:$0x1] =	stream.indirect_vreg.gather [hbm4b:s3+s10], $0x1, v2, vm0, $0x4038;
	[tilespmem:$0x1F40] =	vst v63  }
0x14: {  	s29 =	sadd.s32 $0x10, s15;
	(ifvalue) =	ssetifvalue $0x7FFFFFFF  }
0x15: {  	[tilespmem:s29], [sflag:$0x1] =	stream.indirect_vreg.gather [hbm4b:s3+s10], $0x1, v0, vm0, $0x4038;
	[tilespmem:$0x1F40] =	vst v63  }
0x16: {  	_ =	swait.ge [sflag:s4], $0x7D0  }
0x17: {  	s30 =	sshrl.u32 s13, $0x3;
	[sflag:s4] =	ssyncset.done $0x0  }
0x18: {  	s31 =	sand.u32 $0x7, s13;
	s15 =	sadd.s32 s2, s30;
	[sflag:s4] =	ssyncadd.s32 $0xFFFFF830  }
0x19: {  	[hbm4b:s15+s31] =	stream.linear.scatter [tilespmem:s14], [sflag:$0x3], $0x7D0, $0x38;
	[tilespmem:$0x1F40] =	vst v63  }
.LBB2_5:
0x1a: {  	s15 =	sadd.s32 $0xFA00, s11  }
0x1b: {  	p1 =	sgt.s32 s15, $0x1869F  }
0x1c: {  	s15 =	smov.u32 @p1 s5;
	p1 =	sne.s32 s12, s9  }
.Ltmp1:
0x1d: {  	p0 =	slt.u32 s12, $0x2;
	(pc) =	sbr.rel @!p1 .LBB2_6-.Ltmp1, $4  }
0x1e: {  	s14 =	simm.s32 @!p0 $0x3  }
0x1f: {  	_ =	swait.ge @!p0 [sflag:s14], $0x7D0  }
0x20: {  	s16 =	sadd.s32 $0x1, s12;
	s13 =	smov.u32 s11;
	[sflag:s14] =	ssyncset.done @!p0 $0x0  }
0x21: {  	s12 =	smov.u32 s16;
	s11 =	smov.u32 s15;
	[sflag:s14] =	ssyncadd.s32 @!p0 $0xFFFFF830  }
.LBB2_1:
0x22: {  	p0 =	sge.u32 s12, s7  }
0x23: {  	s14 =	sxor.u32 @!p0 $0x1, s12  }
0x24: {  	s14 =	smul.u32 @!p0 $0x1F40, s14  }
0x25: {  	s31 =	sadd.s32 $0xFFFFFFFF, s12;
	s15 =	sshrl.u32 @!p0 s11, $0x3  }
0x26: {  	s16 =	sand.u32 @!p0 $0x7, s11;
	s15 =	sadd.s32 @!p0 s8, s15;
	s14 =	sshra.s32 @!p0 s14, $0x2  }
0x27: {  	[tilespmem:s14], [sflag:$0x2] =	stream.linear.gather @!p0 [hbm4b:s15+s16], $0x7D0, $0x38;
	[tilespmem:$0x1F40] =	vst v63  }
0x28: {  	p0 =	sge.u32 s31, s7  }
.Ltmp2:
0x29: {  	_ = 	snop;
	(pc) =	sbr.rel @p0 .LBB2_5-.Ltmp2, $1  }
0x2a: {  	_ =	sdelay $0x3  }
0x2b: {  	s14 =	sand.u32 $0x1, s12  }
0x2c: {  	_ =	swait.ge [sflag:s6], $0x7D0;
	p0 =	seq.s32 s14, $0x1;
	s14 =	simm.s32 $0x7D0  }
0x2d: {  	[sflag:s6] =	ssyncset.done $0x0;
	s14 =	simm.s32 @!p0 $0x0  }
0x2e: {  	[sflag:s6] =	ssyncadd.s32 $0xFFFFF830;
	(ifvalue) =	ssetifvalue $0x7FFFFFFF;
	v0 =	vld.msk [tilespmem:s14+$0x0 ss:$0x1], $0xffff;
	_ =	sdelay $0x4  }
0x2f: {  	s15 =	sadd.s32 $0x10, s14;
	vm1 =	vgt.s32 v0, $0x0  }
0x30: {  	v2 =	vld.msk [tilespmem:s15+$0x0 ss:$0x1], $0xffff;
	v1 =	vnsel vm1, $0x0, v0  }
0x31: {  	v1 =	vmin.u32 v1, $0x30D3F;
	_ =	sdelay $0x2  }
0x32: {  	s17 =	simm.s32 $0x20;
	s14 =	sadd.s32 $0xFA0, s14;
	s16 =	sadd.s32 $0x10, s15  }
0x33: {  	s15 =	sadd.s32 $0x10, s14;
	s18 =	smov.u32 s14;
	v0 =	vld.msk [tilespmem:s16+$0x0 ss:$0x1], $0xffff;
	vm1 =	vgt.s32 v2, $0x0;
	(ifvalue) =	ssetifvalue $0x7FFFFFFF  }
.LBB2_3:
0x34: {  	[tilespmem:s18], [sflag:$0x1] =	stream.indirect_vreg.gather [hbm4b:s3+s10], $0x1, v1, vm0, $0x4038;
	[tilespmem:$0x1F40] =	vst v63  }
0x35: {  	s17 =	sadd.s32 $0x10, s17  }
0x36: {  	v2 =	vnsel vm1, $0x0, v2;
	p0 =	slt.u32 s17, $0x7C0  }
.Ltmp3:
0x37: {  	s18 =	smov.u32 s15;
	v1 =	vmin.u32 v2, $0x30D3F;
	(pc) =	sbr.rel @p0 .LBB2_3-.Ltmp3, $3  }
0x38: {  	_ =	sdelay $0x1  }
0x39: {  	s16 =	sadd.s32 $0x10, s16  }
0x3a: {  	vm1 =	vgt.s32 v0, $0x0;
	s15 =	sadd.s32 $0x10, s15;
	v2 =	vmov v0;
	(ifvalue) =	ssetifvalue $0x7FFFFFFF;
	v0 =	vld.msk [tilespmem:s16+$0x0 ss:$0x1], $0xffff  }
.Ltmp4:
0x3b: {  	_ = 	snop;
	(pc) =	sbr.rel .LBB2_4-.Ltmp4, $1  }
0x3c: {  	_ =	sdelay $0x3  }
.LBB2_6:
0x3d: {  	_ =	sfence.sel $0x180000  }
0x3e: {  	s2 =	simm.s32 $0x2;
	[bflag:$0x0] =	sbarrier.arrive $0xFFFF  }
0x3f: {  	s30 =	simm.s32 $0x3;
	[sflag:s2] =	ssyncpa.u1 $0x1  }
0x40: {  	s31 =	simm.s32 $0x1;
	[sflag:s30] =	ssyncpa.u1 $0x1  }
0x41: {  	[sflag:s31] =	ssyncpa.u1 $0x1  }
0x42: {  	p0 =	sne.s32 s1, $0x0;
	_ =	strace $0x9000004A  }
0x43: {  	s0 =	sadd.s32 @!p0 $0x100000, s0;
	[bflag:$0x2] =	sbarrier.arrive $0xFFFF  }
0x44: {  	[sflag:s0] =	ssyncadd.tile.s32 @!p0 $0x1;
	_ =	shalt  }
.Lfunc_end2:
_tile_overlayer_lowered:
.L_overlay_start_2:
0x45: {  	(tag) =	ssettag $0x2  }
0x46: {  	s0 =	rddreg [dreg:$0x0];
	s2 =	stileid.u32  }
0x47: {  	s1 =	rddreg [dreg:$0x1];
	p0 =	sne.s32 s2, $0x0  }
0x48: {  	s3 =	rddreg [dreg:$0x2];
	[bflag:$0x3] =	sbarrier.arrive $0xFFFF;
	s2 =	simm.s32 @!p0 $0x1C01  }
0x49: {  	[timem:s3], [sflag:s2] =	dma.local @!p0 [hbm:s0], s1  }
0x4a: {  	s0 =	simm.s32 @!p0 $0x1  }
0x4b: {  	_ =	swait.ge @!p0 [sflag:s0], s1  }
0x4c: {  	s1 =	ssub.s32 @!p0 $0x0, s1;
	[sflag:s0] =	ssyncset.done @!p0 $0x0  }
0x4d: {  	[sflag:s0] =	ssyncadd.s32 @!p0 s1  }
0x4e: {  	[bflag:$0x3] =	sbarrier.arrive $0xFFFF  }
0x4f: {  	_ =	shalt  }

// kernel: gather_offload_async_start
scs
__scs_entry_jumppad:
0x0: {  	(pc) =	sbr.rel $0x88, $3  }
0x1: {  	(tag) =	ssettag $0x0;
	lr =	simm.s32 $0x1  }
0x2: {  	[smem:$0x3F96] =	sst lr;
	_ =	strace $0xD0000000  }
0x3: {  	_ = 	snop  }
0x4: {  	_ = 	snop  }
0x5: {  	_ = 	snop  }
0x6: {  	_ = 	snop  }
0x7: {  	_ = 	snop  }
__scs_overlays_trampoline_lowered:
0x8: {  	[smem:$0x3FA5] =	sst s0  }
0x9: {  	[smem:$0x3FA6] =	sst s1  }
0xa: {  	[smem:$0x3FA7] =	sst s2  }
0xb: {  	[smem:$0x3FA8] =	sst s3  }
0xc: {  	[smem:$0x3FA9] =	sst s4  }
0xd: {  	[smem:$0x3FAA] =	sst s5  }
0xe: {  	[smem:$0x3FAB] =	sst s6  }
0xf: {  	[smem:$0x3FAC] =	sst s7  }
0x10: {  	[smem:$0x3FAD] =	sst s8  }
0x11: {  	[smem:$0x3FAE] =	sst s9;
	s0 =	simm.s32 @!p0 $0x0  }
0x12: {  	s1 =	sld [smem:$0x3F94];
	s0 =	simm.s32 @p0 $0x1  }
0x13: {  	[smem:$0x3FAF] =	sst s0;
	s0 =	simm.s32 @!p1 $0x0  }
0x14: {  	s2 =	sld [smem:$0x3F93];
	s0 =	simm.s32 @p1 $0x1  }
0x15: {  	[smem:$0x3FB0] =	sst s0;
	s0 =	simm.s32 @!p2 $0x0  }
0x16: {  	s3 =	sld [smem:$0x3FDB];
	s0 =	simm.s32 @p2 $0x1  }
0x17: {  	s4 =	simm.s32 $0x1BF5;
	[smem:$0x3FB2] =	sst s0  }
0x18: {  	s0 =	sld [smem:$0x3F95];
	_ =	swait.ge [sflag:s4], $0x0  }
0x19: {  	s7 =	sld [smem:$0x3F96]  }
0x1a: {  	s8 =	sadd.s32 $0xFFFFE003, lr  }
0x1b: {  	s9 =	sadd.s32 $0xFFFFFEF7, lr;
	s5 =	simm.s32 $0xFFFFFFFF;
	p2 =	slt.u32 s8, $0xFFFFF086  }
0x1c: {  	p1 =	slt.u32 s9, $0xF7A;
	s5 =	simm.s32 @!p2 $0x0  }
0x1d: {  	s5 =	simm.s32 @p1 $0x1;
	p0 =	seq.s32 s7, s2  }
0x1e: {  	s7 =	smul.u32 @!p0 $0xF7A, s2;
	p2 =	seq.s32 @!p0 s5, $0x0  }
0x1f: {  	s9 =	smul.u32 $0xF7A, s1;
	s8 =	simm.s32 @!p0 $0x1BF5;
	p2 =	por !p2, p0  }
0x20: {  	[sflag:s8] =	ssyncset.s32 @!p0 $0xFFFFF086;
	s6 =	sadd.s32 @!p0 s3, s7;
	s7 =	simm.s32 @!p0 $0x108  }
0x21: {  	s3 =	sadd.s32 s3, s9;
	s6 =	sadd.s32 @!p0 $0x88, s6;
	s7 =	simm.s32 @p2 $0x1082  }
0x22: {  	[simem:s7], [sflag:s8] =	dma.local @!p0 [hbm:s6], $0xF7A  }
0x23: {  	s9 =	sor.u32 $0xD0000000, s2;
	s6 =	simm.s32 $0x108;
	_ =	swait.ge @!p0 [sflag:s8], $0x0  }
0x24: {  	s3 =	sadd.s32 $0x88, s3;
	s6 =	simm.s32 @!p1 $0x1082;
	[sflag:s4] =	ssyncset.s32 $0xFFFFF086  }
0x25: {  	[simem:s6], [sflag:s4] =	dma.local [hbm:s3], $0xF7A  }
0x26: {  	[smem:$0x3F96] =	sst s1;
	(tag) =	ssettag s2;
	_ =	strace s9  }
0x27: {  	s1 =	sld [smem:$0x3FA6]  }
0x28: {  	s2 =	sld [smem:$0x3FA7]  }
0x29: {  	s4 =	sld [smem:$0x3FA9]  }
0x2a: {  	p0 =	seq.s32 s5, $0x0;
	s5 =	sld [smem:$0x3FAA]  }
0x2b: {  	s6 =	sld [smem:$0x3FAB]  }
0x2c: {  	s7 =	sld [smem:$0x3FAC]  }
0x2d: {  	s3 =	simm.s32 $0x108;
	s8 =	sld [smem:$0x3FAD]  }
0x2e: {  	s3 =	simm.s32 @!p0 $0x1082;
	s9 =	sld [smem:$0x3FAE]  }
0x2f: {  	lr =	sadd.s32 s0, s3;
	s0 =	sld [smem:$0x3FA5]  }
0x30: {  	s3 =	sld [smem:$0x3FA8]  }
0x31: {  	[smem:$0x3FB1] =	sst s10  }
0x32: {  	s10 =	sld [smem:$0x3FAF];
	_ =	sdelay $0x3  }
0x33: {  	p0 =	seq.s32 s10, $0x1;
	s10 =	sld [smem:$0x3FB1];
	_ =	sdelay $0x3  }
0x34: {  	[smem:$0x3FB1] =	sst s10  }
0x35: {  	s10 =	sld [smem:$0x3FB0];
	_ =	sdelay $0x3  }
0x36: {  	p1 =	seq.s32 s10, $0x1;
	s10 =	sld [smem:$0x3FB1];
	_ =	sdelay $0x3  }
0x37: {  	[smem:$0x3FB1] =	sst s10  }
0x38: {  	s10 =	sld [smem:$0x3FB2]  }
0x39: {  	_ = 	snop;
	(pc) =	sbr.ind lr, $3  }
0x3a: {  	_ = 	snop  }
0x3b: {  	_ = 	snop  }
0x3c: {  	p2 =	seq.s32 s10, $0x1;
	s10 =	sld [smem:$0x3FB1]  }
0x3d: {  	_ =	shalt  }
0x3e: {  	_ =	shalt  }
0x3f: {  	_ =	shalt  }
0x40: {  	_ =	shalt  }
0x41: {  	_ =	shalt  }
0x42: {  	_ =	shalt  }
0x43: {  	_ =	shalt  }
0x44: {  	_ =	shalt  }
0x45: {  	_ =	shalt  }
0x46: {  	_ =	shalt  }
0x47: {  	_ =	shalt  }
0x48: {  	_ =	shalt  }
0x49: {  	_ =	shalt  }
0x4a: {  	_ =	shalt  }
0x4b: {  	_ =	shalt  }
0x4c: {  	_ =	shalt  }
0x4d: {  	_ =	shalt  }
0x4e: {  	_ =	shalt  }
0x4f: {  	_ =	shalt  }
0x50: {  	_ =	shalt  }
0x51: {  	_ =	shalt  }
0x52: {  	_ =	shalt  }
0x53: {  	_ =	shalt  }
0x54: {  	_ =	shalt  }
0x55: {  	_ =	shalt  }
0x56: {  	_ =	shalt  }
0x57: {  	_ =	shalt  }
0x58: {  	_ =	shalt  }
0x59: {  	_ =	shalt  }
0x5a: {  	_ =	shalt  }
0x5b: {  	_ =	shalt  }
0x5c: {  	_ =	shalt  }
0x5d: {  	_ =	shalt  }
0x5e: {  	_ =	shalt  }
0x5f: {  	_ =	shalt  }
0x60: {  	_ =	shalt  }
0x61: {  	_ =	shalt  }
0x62: {  	_ =	shalt  }
0x63: {  	_ =	shalt  }
0x64: {  	_ =	shalt  }
0x65: {  	_ =	shalt  }
0x66: {  	_ =	shalt  }
0x67: {  	_ =	shalt  }
0x68: {  	_ =	shalt  }
0x69: {  	_ =	shalt  }
0x6a: {  	_ =	shalt  }
0x6b: {  	_ =	shalt  }
0x6c: {  	_ =	shalt  }
0x6d: {  	_ =	shalt  }
0x6e: {  	_ =	shalt  }
0x6f: {  	_ =	shalt  }
0x70: {  	_ =	shalt  }
0x71: {  	_ =	shalt  }
0x72: {  	_ =	shalt  }
0x73: {  	_ =	shalt  }
0x74: {  	_ =	shalt  }
0x75: {  	_ =	shalt  }
0x76: {  	_ =	shalt  }
0x77: {  	_ =	shalt  }
0x78: {  	_ =	shalt  }
0x79: {  	_ =	shalt  }
0x7a: {  	_ =	shalt  }
0x7b: {  	_ =	shalt  }
0x7c: {  	_ =	shalt  }
0x7d: {  	_ =	shalt  }
0x7e: {  	_ =	shalt  }
0x7f: {  	_ =	shalt  }
0x80: {  	_ =	shalt  }
0x81: {  	_ =	shalt  }
0x82: {  	_ =	shalt  }
0x83: {  	_ =	shalt  }
0x84: {  	_ =	shalt  }
0x85: {  	_ =	shalt  }
0x86: {  	_ =	shalt  }
0x87: {  	_ =	shalt  }
.Lfunc_end0:
.L_simem_size_0:
called_computation.1_lowered:
.L_overlay_start_0:
0x88: {  	s2 =	sld [smem:$0x3FD9]  }
0x89: {  	s3 =	sld [smem:$0x3FFE];
	_ =	sdelay $0x1  }
0x8a: {  	s1 =	srdreg.scid  }
0x8b: {  	s0 =	sand.u32 $0x1, s1  }
0x8c: {  	s14 =	sshll.u32 s0, $0xA;
	s2 =	sadd.s32 s3, s2  }
0x8d: {  	s2 =	sadd.s32 s2, s14  }
0x8e: {  	[smem:$0x3FBD] =	sst s2  }
0x8f: {  	_ = 	snop  }
0x90: {  	s2 =	sld [smem:$0x3FD0];
	_ =	sdelay $0x2  }
0x91: {  	s15 =	simm.s32 $0xA;
	s4 =	simm.s32 $0x10  }
0x92: {  	[smem:s4], [sflag:s15] =	dma.local [hbm:s2], $0x1  }
0x93: {  	_ =	swait.eq [sflag:s15], $0x1  }
0x94: {  	[sflag:s15] =	ssyncset.done $0x0  }
0x95: {  	[sflag:s15] =	ssyncadd.s32 $0xFFFFFFFF  }
0x96: {  	s16 =	sld [smem:$0x11];
	(tm) =	ssettm $0x1  }
0x97: {  	s17 =	sld [smem:$0x3FFB];
	_ =	sdelay $0x3  }
0x98: {  	_ =	strace s17  }
0x99: {  	s3 =	sld [smem:$0x3FFC];
	_ =	sdelay $0x3  }
0x9a: {  	_ =	strace s3  }
0x9b: {  	s3 =	sld [smem:$0x3FFD];
	_ =	sdelay $0x3  }
0x9c: {  	_ =	strace s3  }
0x9d: {  	_ =	strace $0x8FFFFFFF  }
0x9e: {  	s18 =	sld [smem:$0x3FDB];
	_ =	sdelay $0x1  }
0x9f: {  	s19 =	simm.s32 $_scs_section_size  }
0xa0: {  	s5 =	simm.s32 $_size__tile_overlayer_lowered;
	s6 =	simm.s32 $_tile_overlayer_lowered  }
0xa1: {  	s22 =	simm.s32 $0x1BFF;
	s21 =	sshll.u32 s6, $0x1;
	s3 =	sadd.s32 s19, s18  }
0xa2: {  	s7 =	simm.s32 $0x0;
	s20 =	sshll.u32 s5, $0x1;
	s5 =	sadd.s32 s21, s3  }
0xa3: {  	[timem:s7], [sflag:s22] =	dma.local [hbm:s5], s20  }
0xa4: {  	_ =	swait.ge [sflag:s22], s20  }
0xa5: {  	s4 =	ssub.s32 $0x0, s20;
	[sflag:s22] =	ssyncset.done $0x0  }
0xa6: {  	[sflag:s22] =	ssyncadd.s32 s4;
	_ =	sdelay $0x1  }
0xa7: {  	s23 =	simm.s32 $0x1B8B  }
0xa8: {  	_ =	swait.ge [sflag:s23], $0x1  }
0xa9: {  	[sflag:s23] =	ssyncset.done $0x0  }
0xaa: {  	s25 =	simm.s32 $0x1B8E;
	s24 =	sld [smem:$0x3FFE];
	[sflag:s23] =	ssyncadd.s32 $0xFFFFFFFF  }
0xab: {  	s26 =	simm.s32 $execute0_lowered;
	[smem:$0x3FD2] =	sst s25  }
0xac: {  	s5 =	sshll.u32 s26, $0x1;
	_ =	strace $0x80000046;
	[dreg:$0x1] =	wrdreg $0xFFFFFFFF  }
0xad: {  	s28 =	simm.s32 $_size_execute0_lowered;
	s3 =	sadd.s32 s3, s5;
	[dreg:$0x0] =	wrdreg $0x0  }
0xae: {  	s5 =	sshll.u32 s28, $0x1;
	[dreg:$0x2] =	wrdreg s3  }
0xaf: {  	[dreg:$0x3] =	wrdreg s5  }
0xb0: {  	[dreg:$0x4] =	wrdreg $0xC0  }
0xb1: {  	_ =	task [dreg:s7], $0x5FFFF  }
0xb2: {  	[dreg:$0x1] =	wrdreg $0xFFFFFFFF  }
0xb3: {  	[dreg:$0x0] =	wrdreg $0x60  }
0xb4: {  	[dreg:$0x2] =	wrdreg s24  }
0xb5: {  	[dreg:$0x3] =	wrdreg s16  }
0xb6: {  	[dreg:$0x4] =	wrdreg $0x9  }
0xb7: {  	_ =	task.clear_ibuf [dreg:s7], $0x5FFFF;
	_ =	strace $0x90000046  }
0xb8: {  	s29 =	simm.s32 $0x9;
	_ =	strace $0x80000048  }
0xb9: {  	_ =	swait.ge [sflag:s29], $0x1  }
0xba: {  	[sflag:s29] =	ssyncadd.s32 $0xFFFFFFFF  }
0xbb: {  	_ =	strace $0x90000048  }
0xbc: {  	_ =	sfence  }
0xbd: {  	s30 =	sld [smem:$0x0];
	_ =	sdelay $0x2  }
0xbe: {  	s31 =	sshll.u32 s1, $0xD;
	s1 =	sshrl.u32 s1, $0x2  }
0xbf: {  	s3 =	sand.u32 $0x4000, s31;
	s1 =	sadd.s32 s1, s30  }
0xc0: {  	s0 =	sor.u32 s3, s0;
	s1 =	sshll.u32 s1, $0x11  }
0xc1: {  	s0 =	sor.u32 s1, s0  }
0xc2: {  	s0 =	sadd.s32 $0x8F2B, s0  }
0xc3: {  	[sflag:s0] =	ssyncadd.remote.s32 $0x1  }
0xc4: {  	_ =	sfence.sel $0xFFFF  }
0xc5: {  	[dreg:$0x0] =	wrdreg $0xFFFFFFFF;
	(pc) =	sbr.abs _section_cstart, $3  }
0xc6: {  	[dreg:$0x1] =	wrdreg $0xFFFFFFFF  }
0xc7: {  	_ =	task.clear_ibuf [dreg:s7], $0x2FFFF;
	_ =	strace $0x9FFFFFFF  }
0xc8: {  	(tm) =	ssettm $0x7FFFFFFF  }
0xc9: {  	_ =	shalt  }
tec
execute0_lowered:
.L_overlay_start_1:
0x0: {  	(tag) =	ssettag $0x1  }
0x1: {  	s8 =	rddreg [dreg:$0x0]  }
0x2: {  	s2 =	rddreg [dreg:$0x1]  }
0x3: {  	s0 =	rddreg [dreg:$0x2];
	s1 =	stileid.u32  }
0x4: {  	s3 =	srdreg.scid;
	_ =	strace $0x80000047;
	s4 =	simm.s32 $0x1  }
0x5: {  	s7 =	simm.s32 $0x1;
	s9 =	simm.s32 $0x1;
	s10 =	simm.s32 $0x3  }
0x6: {  	s13 =	simm.s32 $0x0;
	s5 =	sand.u32 $0x1, s3;
	s6 =	sshll.u32 s1, $0x1  }
0x7: {  	s12 =	simm.s32 $0x0;
	s3 =	sadd.s32 $0x6800, s8;
	s5 =	sor.u32 s6, s5  }
.Ltmp0:
0x8: {  	[sflag:s4] =	ssyncpa.u1 $0x0;
	p0 =	slt.u32 s5, $0x13;
	(pc) =	sbr.rel .LBB2_1-.Ltmp0, $4  }
0x9: {  	s6 =	simm.s32 $0x2;
	s7 =	simm.s32 @!p0 $0x0;
	p0 =	sne.s32 s5, $0x12  }
0xa: {  	[sflag:s6] =	ssyncpa.u1 $0x0;
	s5 =	smul.u32 $0xFA0, s5;
	s9 =	simm.s32 @!p0 $0x0  }
0xb: {  	s8 =	sadd.s32 $0x106800, s8;
	[sflag:s10] =	ssyncpa.u1 $0x0;
	s7 =	sadd.s32 s9, s7  }
0xc: {  	vm0 =	vmmov $0xffff;
	s10 =	simm.s32 $0x0;
	s11 =	smov.u32 s5;
	s9 =	sadd.s32 $0x1, s7  }
.LBB2_4:
0xd: {  	v2 =	vnsel vm1, $0x0, v2  }
0xe: {  	vm1 =	vgt.s32 v0, $0x0;
	v2 =	vmin.u32 v2, $0x7FFFFF  }
0xf: {  	v0 =	vnsel vm1, $0x0, v0  }
0x10: {  	v0 =	vmin.u32 v0, $0x7FFFFF  }
0x11: {  	[tilespmem:s18], [sflag:$0x1] =	stream.indirect_vreg.gather [hbm4b:s3+s10], $0x1, v1, vm0, $0x4038;
	[tilespmem:$0x3E80] =	vst v63  }
0x12: {  	(ifvalue) =	ssetifvalue $0x7FFFFFFF  }
0x13: {  	[tilespmem:s15], [sflag:$0x1] =	stream.indirect_vreg.gather [hbm4b:s3+s10], $0x1, v2, vm0, $0x4038;
	[tilespmem:$0x3E80] =	vst v63  }
0x14: {  	s29 =	sadd.s32 $0x10, s15;
	(ifvalue) =	ssetifvalue $0x7FFFFFFF  }
0x15: {  	[tilespmem:s29], [sflag:$0x1] =	stream.indirect_vreg.gather [hbm4b:s3+s10], $0x1, v0, vm0, $0x4038;
	[tilespmem:$0x3E80] =	vst v63  }
0x16: {  	_ =	swait.ge [sflag:s4], $0xFA0  }
0x17: {  	s30 =	sshrl.u32 s13, $0x3;
	[sflag:s4] =	ssyncset.done $0x0  }
0x18: {  	s31 =	sand.u32 $0x7, s13;
	s15 =	sadd.s32 s8, s30;
	[sflag:s4] =	ssyncadd.s32 $0xFFFFF060  }
0x19: {  	[hbm4b:s15+s31] =	stream.linear.scatter [tilespmem:s14], [sflag:$0x3], $0xFA0, $0x38;
	[tilespmem:$0x3E80] =	vst v63  }
.LBB2_5:
0x1a: {  	s15 =	sadd.s32 $0x1F400, s11  }
0x1b: {  	p1 =	sgt.s32 s15, $0x30D3F  }
0x1c: {  	s15 =	smov.u32 @p1 s5;
	p1 =	sne.s32 s12, s9  }
.Ltmp1:
0x1d: {  	p0 =	slt.u32 s12, $0x2;
	(pc) =	sbr.rel @!p1 .LBB2_6-.Ltmp1, $4  }
0x1e: {  	s14 =	simm.s32 @!p0 $0x3  }
0x1f: {  	_ =	swait.ge @!p0 [sflag:s14], $0xFA0  }
0x20: {  	s16 =	sadd.s32 $0x1, s12;
	s13 =	smov.u32 s11;
	[sflag:s14] =	ssyncset.done @!p0 $0x0  }
0x21: {  	s12 =	smov.u32 s16;
	s11 =	smov.u32 s15;
	[sflag:s14] =	ssyncadd.s32 @!p0 $0xFFFFF060  }
.LBB2_1:
0x22: {  	p0 =	sge.u32 s12, s7  }
0x23: {  	s14 =	sxor.u32 @!p0 $0x1, s12  }
0x24: {  	s14 =	smul.u32 @!p0 $0x3E80, s14  }
0x25: {  	s31 =	sadd.s32 $0xFFFFFFFF, s12;
	s15 =	sshrl.u32 @!p0 s11, $0x3  }
0x26: {  	s16 =	sand.u32 @!p0 $0x7, s11;
	s15 =	sadd.s32 @!p0 s2, s15;
	s14 =	sshra.s32 @!p0 s14, $0x2  }
0x27: {  	[tilespmem:s14], [sflag:$0x2] =	stream.linear.gather @!p0 [hbm4b:s15+s16], $0xFA0, $0x38;
	[tilespmem:$0x3E80] =	vst v63  }
0x28: {  	p0 =	sge.u32 s31, s7  }
.Ltmp2:
0x29: {  	_ = 	snop;
	(pc) =	sbr.rel @p0 .LBB2_5-.Ltmp2, $1  }
0x2a: {  	_ =	sdelay $0x3  }
0x2b: {  	s14 =	sand.u32 $0x1, s12  }
0x2c: {  	_ =	swait.ge [sflag:s6], $0xFA0;
	p0 =	seq.s32 s14, $0x1;
	s14 =	simm.s32 $0xFA0  }
0x2d: {  	[sflag:s6] =	ssyncset.done $0x0;
	s14 =	simm.s32 @!p0 $0x0  }
0x2e: {  	[sflag:s6] =	ssyncadd.s32 $0xFFFFF060;
	(ifvalue) =	ssetifvalue $0x7FFFFFFF;
	v0 =	vld.msk [tilespmem:s14+$0x0 ss:$0x1], $0xffff;
	_ =	sdelay $0x4  }
0x2f: {  	s15 =	sadd.s32 $0x10, s14;
	vm1 =	vgt.s32 v0, $0x0  }
0x30: {  	v2 =	vld.msk [tilespmem:s15+$0x0 ss:$0x1], $0xffff;
	v1 =	vnsel vm1, $0x0, v0  }
0x31: {  	v1 =	vmin.u32 v1, $0x7FFFFF;
	_ =	sdelay $0x2  }
0x32: {  	s17 =	simm.s32 $0x20;
	s14 =	sadd.s32 $0x1F40, s14;
	s16 =	sadd.s32 $0x10, s15  }
0x33: {  	s15 =	sadd.s32 $0x10, s14;
	s18 =	smov.u32 s14;
	v0 =	vld.msk [tilespmem:s16+$0x0 ss:$0x1], $0xffff;
	vm1 =	vgt.s32 v2, $0x0;
	(ifvalue) =	ssetifvalue $0x7FFFFFFF  }
.LBB2_3:
0x34: {  	[tilespmem:s18], [sflag:$0x1] =	stream.indirect_vreg.gather [hbm4b:s3+s10], $0x1, v1, vm0, $0x4038;
	[tilespmem:$0x3E80] =	vst v63  }
0x35: {  	s17 =	sadd.s32 $0x10, s17  }
0x36: {  	v2 =	vnsel vm1, $0x0, v2;
	p0 =	slt.u32 s17, $0xF90  }
.Ltmp3:
0x37: {  	s18 =	smov.u32 s15;
	v1 =	vmin.u32 v2, $0x7FFFFF;
	(pc) =	sbr.rel @p0 .LBB2_3-.Ltmp3, $3  }
0x38: {  	_ =	sdelay $0x1  }
0x39: {  	s16 =	sadd.s32 $0x10, s16  }
0x3a: {  	vm1 =	vgt.s32 v0, $0x0;
	s15 =	sadd.s32 $0x10, s15;
	v2 =	vmov v0;
	(ifvalue) =	ssetifvalue $0x7FFFFFFF;
	v0 =	vld.msk [tilespmem:s16+$0x0 ss:$0x1], $0xffff  }
.Ltmp4:
0x3b: {  	_ = 	snop;
	(pc) =	sbr.rel .LBB2_4-.Ltmp4, $1  }
0x3c: {  	_ =	sdelay $0x3  }
.LBB2_6:
0x3d: {  	_ =	sfence.sel $0x180000  }
0x3e: {  	s2 =	simm.s32 $0x2;
	[bflag:$0x0] =	sbarrier.arrive $0xFFFF  }
0x3f: {  	s30 =	simm.s32 $0x3;
	[sflag:s2] =	ssyncpa.u1 $0x1  }
0x40: {  	s31 =	simm.s32 $0x1;
	[sflag:s30] =	ssyncpa.u1 $0x1  }
0x41: {  	[sflag:s31] =	ssyncpa.u1 $0x1  }
0x42: {  	p0 =	sne.s32 s1, $0x0;
	_ =	strace $0x90000047  }
0x43: {  	s0 =	sadd.s32 @!p0 $0x100000, s0;
	[bflag:$0x2] =	sbarrier.arrive $0xFFFF  }
0x44: {  	[sflag:s0] =	ssyncadd.tile.s32 @!p0 $0x1;
	_ =	shalt  }
.Lfunc_end2:
_tile_overlayer_lowered:
.L_overlay_start_2:
0x45: {  	(tag) =	ssettag $0x2  }
0x46: {  	s0 =	rddreg [dreg:$0x0];
	s2 =	stileid.u32  }
0x47: {  	s1 =	rddreg [dreg:$0x1];
	p0 =	sne.s32 s2, $0x0  }
0x48: {  	s3 =	rddreg [dreg:$0x2];
	[bflag:$0x3] =	sbarrier.arrive $0xFFFF;
	s2 =	simm.s32 @!p0 $0x1C01  }
0x49: {  	[timem:s3], [sflag:s2] =	dma.local @!p0 [hbm:s0], s1  }
0x4a: {  	s0 =	simm.s32 @!p0 $0x1  }
0x4b: {  	_ =	swait.ge @!p0 [sflag:s0], s1  }
0x4c: {  	s1 =	ssub.s32 @!p0 $0x0, s1;
	[sflag:s0] =	ssyncset.done @!p0 $0x0  }
0x4d: {  	[sflag:s0] =	ssyncadd.s32 @!p0 s1  }
0x4e: {  	[bflag:$0x3] =	sbarrier.arrive $0xFFFF  }
0x4f: {  	_ =	shalt  }

// kernel: kernel.4.cloned.1.call-start
scs
__scs_entry_jumppad:
0x0: {  	(pc) =	sbr.rel $0x88, $3  }
0x1: {  	(tag) =	ssettag $0x0;
	lr =	simm.s32 $0x1  }
0x2: {  	[smem:$0x3F96] =	sst lr;
	_ =	strace $0xD0000000  }
0x3: {  	_ = 	snop  }
0x4: {  	_ = 	snop  }
0x5: {  	_ = 	snop  }
0x6: {  	_ = 	snop  }
0x7: {  	_ = 	snop  }
__scs_overlays_trampoline_lowered:
0x8: {  	[smem:$0x3FA5] =	sst s0  }
0x9: {  	[smem:$0x3FA6] =	sst s1  }
0xa: {  	[smem:$0x3FA7] =	sst s2  }
0xb: {  	[smem:$0x3FA8] =	sst s3  }
0xc: {  	[smem:$0x3FA9] =	sst s4  }
0xd: {  	[smem:$0x3FAA] =	sst s5  }
0xe: {  	[smem:$0x3FAB] =	sst s6  }
0xf: {  	[smem:$0x3FAC] =	sst s7  }
0x10: {  	[smem:$0x3FAD] =	sst s8  }
0x11: {  	[smem:$0x3FAE] =	sst s9;
	s0 =	simm.s32 @!p0 $0x0  }
0x12: {  	s1 =	sld [smem:$0x3F94];
	s0 =	simm.s32 @p0 $0x1  }
0x13: {  	[smem:$0x3FAF] =	sst s0;
	s0 =	simm.s32 @!p1 $0x0  }
0x14: {  	s2 =	sld [smem:$0x3F93];
	s0 =	simm.s32 @p1 $0x1  }
0x15: {  	[smem:$0x3FB0] =	sst s0;
	s0 =	simm.s32 @!p2 $0x0  }
0x16: {  	s3 =	sld [smem:$0x3FDB];
	s0 =	simm.s32 @p2 $0x1  }
0x17: {  	s4 =	simm.s32 $0x1BF5;
	[smem:$0x3FB2] =	sst s0  }
0x18: {  	s0 =	sld [smem:$0x3F95];
	_ =	swait.ge [sflag:s4], $0x0  }
0x19: {  	s7 =	sld [smem:$0x3F96]  }
0x1a: {  	s8 =	sadd.s32 $0xFFFFE003, lr  }
0x1b: {  	s9 =	sadd.s32 $0xFFFFFEF7, lr;
	s5 =	simm.s32 $0xFFFFFFFF;
	p2 =	slt.u32 s8, $0xFFFFF086  }
0x1c: {  	p1 =	slt.u32 s9, $0xF7A;
	s5 =	simm.s32 @!p2 $0x0  }
0x1d: {  	s5 =	simm.s32 @p1 $0x1;
	p0 =	seq.s32 s7, s2  }
0x1e: {  	s7 =	smul.u32 @!p0 $0xF7A, s2;
	p2 =	seq.s32 @!p0 s5, $0x0  }
0x1f: {  	s9 =	smul.u32 $0xF7A, s1;
	s8 =	simm.s32 @!p0 $0x1BF5;
	p2 =	por !p2, p0  }
0x20: {  	[sflag:s8] =	ssyncset.s32 @!p0 $0xFFFFF086;
	s6 =	sadd.s32 @!p0 s3, s7;
	s7 =	simm.s32 @!p0 $0x108  }
0x21: {  	s3 =	sadd.s32 s3, s9;
	s6 =	sadd.s32 @!p0 $0x88, s6;
	s7 =	simm.s32 @p2 $0x1082  }
0x22: {  	[simem:s7], [sflag:s8] =	dma.local @!p0 [hbm:s6], $0xF7A  }
0x23: {  	s9 =	sor.u32 $0xD0000000, s2;
	s6 =	simm.s32 $0x108;
	_ =	swait.ge @!p0 [sflag:s8], $0x0  }
0x24: {  	s3 =	sadd.s32 $0x88, s3;
	s6 =	simm.s32 @!p1 $0x1082;
	[sflag:s4] =	ssyncset.s32 $0xFFFFF086  }
0x25: {  	[simem:s6], [sflag:s4] =	dma.local [hbm:s3], $0xF7A  }
0x26: {  	[smem:$0x3F96] =	sst s1;
	(tag) =	ssettag s2;
	_ =	strace s9  }
0x27: {  	s1 =	sld [smem:$0x3FA6]  }
0x28: {  	s2 =	sld [smem:$0x3FA7]  }
0x29: {  	s4 =	sld [smem:$0x3FA9]  }
0x2a: {  	p0 =	seq.s32 s5, $0x0;
	s5 =	sld [smem:$0x3FAA]  }
0x2b: {  	s6 =	sld [smem:$0x3FAB]  }
0x2c: {  	s7 =	sld [smem:$0x3FAC]  }
0x2d: {  	s3 =	simm.s32 $0x108;
	s8 =	sld [smem:$0x3FAD]  }
0x2e: {  	s3 =	simm.s32 @!p0 $0x1082;
	s9 =	sld [smem:$0x3FAE]  }
0x2f: {  	lr =	sadd.s32 s0, s3;
	s0 =	sld [smem:$0x3FA5]  }
0x30: {  	s3 =	sld [smem:$0x3FA8]  }
0x31: {  	[smem:$0x3FB1] =	sst s10  }
0x32: {  	s10 =	sld [smem:$0x3FAF];
	_ =	sdelay $0x3  }
0x33: {  	p0 =	seq.s32 s10, $0x1;
	s10 =	sld [smem:$0x3FB1];
	_ =	sdelay $0x3  }
0x34: {  	[smem:$0x3FB1] =	sst s10  }
0x35: {  	s10 =	sld [smem:$0x3FB0];
	_ =	sdelay $0x3  }
0x36: {  	p1 =	seq.s32 s10, $0x1;
	s10 =	sld [smem:$0x3FB1];
	_ =	sdelay $0x3  }
0x37: {  	[smem:$0x3FB1] =	sst s10  }
0x38: {  	s10 =	sld [smem:$0x3FB2]  }
0x39: {  	_ = 	snop;
	(pc) =	sbr.ind lr, $3  }
0x3a: {  	_ = 	snop  }
0x3b: {  	_ = 	snop  }
0x3c: {  	p2 =	seq.s32 s10, $0x1;
	s10 =	sld [smem:$0x3FB1]  }
0x3d: {  	_ =	shalt  }
0x3e: {  	_ =	shalt  }
0x3f: {  	_ =	shalt  }
0x40: {  	_ =	shalt  }
0x41: {  	_ =	shalt  }
0x42: {  	_ =	shalt  }
0x43: {  	_ =	shalt  }
0x44: {  	_ =	shalt  }
0x45: {  	_ =	shalt  }
0x46: {  	_ =	shalt  }
0x47: {  	_ =	shalt  }
0x48: {  	_ =	shalt  }
0x49: {  	_ =	shalt  }
0x4a: {  	_ =	shalt  }
0x4b: {  	_ =	shalt  }
0x4c: {  	_ =	shalt  }
0x4d: {  	_ =	shalt  }
0x4e: {  	_ =	shalt  }
0x4f: {  	_ =	shalt  }
0x50: {  	_ =	shalt  }
0x51: {  	_ =	shalt  }
0x52: {  	_ =	shalt  }
0x53: {  	_ =	shalt  }
0x54: {  	_ =	shalt  }
0x55: {  	_ =	shalt  }
0x56: {  	_ =	shalt  }
0x57: {  	_ =	shalt  }
0x58: {  	_ =	shalt  }
0x59: {  	_ =	shalt  }
0x5a: {  	_ =	shalt  }
0x5b: {  	_ =	shalt  }
0x5c: {  	_ =	shalt  }
0x5d: {  	_ =	shalt  }
0x5e: {  	_ =	shalt  }
0x5f: {  	_ =	shalt  }
0x60: {  	_ =	shalt  }
0x61: {  	_ =	shalt  }
0x62: {  	_ =	shalt  }
0x63: {  	_ =	shalt  }
0x64: {  	_ =	shalt  }
0x65: {  	_ =	shalt  }
0x66: {  	_ =	shalt  }
0x67: {  	_ =	shalt  }
0x68: {  	_ =	shalt  }
0x69: {  	_ =	shalt  }
0x6a: {  	_ =	shalt  }
0x6b: {  	_ =	shalt  }
0x6c: {  	_ =	shalt  }
0x6d: {  	_ =	shalt  }
0x6e: {  	_ =	shalt  }
0x6f: {  	_ =	shalt  }
0x70: {  	_ =	shalt  }
0x71: {  	_ =	shalt  }
0x72: {  	_ =	shalt  }
0x73: {  	_ =	shalt  }
0x74: {  	_ =	shalt  }
0x75: {  	_ =	shalt  }
0x76: {  	_ =	shalt  }
0x77: {  	_ =	shalt  }
0x78: {  	_ =	shalt  }
0x79: {  	_ =	shalt  }
0x7a: {  	_ =	shalt  }
0x7b: {  	_ =	shalt  }
0x7c: {  	_ =	shalt  }
0x7d: {  	_ =	shalt  }
0x7e: {  	_ =	shalt  }
0x7f: {  	_ =	shalt  }
0x80: {  	_ =	shalt  }
0x81: {  	_ =	shalt  }
0x82: {  	_ =	shalt  }
0x83: {  	_ =	shalt  }
0x84: {  	_ =	shalt  }
0x85: {  	_ =	shalt  }
0x86: {  	_ =	shalt  }
0x87: {  	_ =	shalt  }
.Lfunc_end0:
.L_simem_size_0:
called_computation.3_lowered:
.L_overlay_start_0:
0x88: {  	s2 =	sld [smem:$0x3FD9]  }
0x89: {  	s3 =	sld [smem:$0x3FFE];
	_ =	sdelay $0x1  }
0x8a: {  	s1 =	srdreg.scid  }
0x8b: {  	s0 =	sand.u32 $0x1, s1  }
0x8c: {  	s14 =	sshll.u32 s0, $0xA;
	s2 =	sadd.s32 s3, s2  }
0x8d: {  	s2 =	sadd.s32 s2, s14  }
0x8e: {  	[smem:$0x3FBD] =	sst s2  }
0x8f: {  	_ = 	snop  }
0x90: {  	s2 =	sld [smem:$0x3FD0];
	_ =	sdelay $0x2  }
0x91: {  	s4 =	simm.s32 $0xA;
	s5 =	simm.s32 $0x10;
	s15 =	sld [smem:$0x3FC6]  }
0x92: {  	[smem:s5], [sflag:s4] =	dma.local [hbm:s2], $0x1  }
0x93: {  	_ =	swait.eq [sflag:s4], $0x1  }
0x94: {  	[sflag:s4] =	ssyncset.done $0x0  }
0x95: {  	[sflag:s4] =	ssyncadd.s32 $0xFFFFFFFF  }
0x96: {  	s16 =	sld [smem:$0x10];
	(tm) =	ssettm $0x1  }
0x97: {  	s17 =	sld [smem:$0x3FFB];
	_ =	sdelay $0x3  }
0x98: {  	_ =	strace s17  }
0x99: {  	s4 =	sld [smem:$0x3FFC];
	_ =	sdelay $0x3  }
0x9a: {  	_ =	strace s4  }
0x9b: {  	s4 =	sld [smem:$0x3FFD];
	_ =	sdelay $0x3  }
0x9c: {  	_ =	strace s4  }
0x9d: {  	_ =	strace $0x8FFFFFFF  }
0x9e: {  	s18 =	sld [smem:$0x3FDB];
	_ =	sdelay $0x1  }
0x9f: {  	s19 =	simm.s32 $_scs_section_size  }
0xa0: {  	s6 =	simm.s32 $_size__tile_overlayer_lowered;
	s7 =	simm.s32 $_tile_overlayer_lowered  }
0xa1: {  	s22 =	simm.s32 $0x1BFF;
	s21 =	sshll.u32 s7, $0x1;
	s4 =	sadd.s32 s19, s18  }
0xa2: {  	s8 =	simm.s32 $0x0;
	s20 =	sshll.u32 s6, $0x1;
	s6 =	sadd.s32 s21, s4  }
0xa3: {  	[timem:s8], [sflag:s22] =	dma.local [hbm:s6], s20  }
0xa4: {  	_ =	swait.ge [sflag:s22], s20  }
0xa5: {  	s5 =	ssub.s32 $0x0, s20;
	[sflag:s22] =	ssyncset.done $0x0  }
0xa6: {  	[sflag:s22] =	ssyncadd.s32 s5;
	_ =	sdelay $0x1  }
0xa7: {  	s23 =	simm.s32 $0x1B8B  }
0xa8: {  	_ =	swait.ge [sflag:s23], $0x1  }
0xa9: {  	[sflag:s23] =	ssyncset.done $0x0  }
0xaa: {  	s25 =	simm.s32 $0x1B8E;
	s24 =	sld [smem:$0x3FFE];
	[sflag:s23] =	ssyncadd.s32 $0xFFFFFFFF  }
0xab: {  	s26 =	simm.s32 $execute0_lowered;
	[smem:$0x3FD2] =	sst s25  }
0xac: {  	s6 =	sshll.u32 s26, $0x1;
	_ =	strace $0x8000004F;
	[dreg:$0x1] =	wrdreg $0xFFFFFFFF  }
0xad: {  	s28 =	simm.s32 $_size_execute0_lowered;
	s4 =	sadd.s32 s4, s6;
	[dreg:$0x0] =	wrdreg $0x0  }
0xae: {  	s6 =	sshll.u32 s28, $0x1;
	[dreg:$0x2] =	wrdreg s4  }
0xaf: {  	[dreg:$0x3] =	wrdreg s6  }
0xb0: {  	[dreg:$0x4] =	wrdreg $0xC0  }
0xb1: {  	_ =	task [dreg:s8], $0x5FFFF  }
0xb2: {  	[dreg:$0x1] =	wrdreg $0xFFFFFFFF  }
0xb3: {  	[dreg:$0x0] =	wrdreg $0x60  }
0xb4: {  	[dreg:$0x2] =	wrdreg s15  }
0xb5: {  	[dreg:$0x3] =	wrdreg s24  }
0xb6: {  	[dreg:$0x4] =	wrdreg s16  }
0xb7: {  	[dreg:$0x5] =	wrdreg $0x9  }
0xb8: {  	_ =	task.clear_ibuf [dreg:s8], $0x6FFFF;
	_ =	strace $0x9000004F  }
0xb9: {  	s29 =	simm.s32 $0x9;
	_ =	strace $0x80000051  }
0xba: {  	_ =	swait.ge [sflag:s29], $0x1  }
0xbb: {  	[sflag:s29] =	ssyncadd.s32 $0xFFFFFFFF  }
0xbc: {  	_ =	strace $0x90000051  }
0xbd: {  	_ =	sfence  }
0xbe: {  	s30 =	sld [smem:$0x0];
	_ =	sdelay $0x2  }
0xbf: {  	s31 =	sshll.u32 s1, $0xD;
	s1 =	sshrl.u32 s1, $0x2  }
0xc0: {  	s3 =	sand.u32 $0x4000, s31;
	s1 =	sadd.s32 s1, s30  }
0xc1: {  	s0 =	sor.u32 s3, s0;
	s1 =	sshll.u32 s1, $0x11  }
0xc2: {  	s0 =	sor.u32 s1, s0  }
0xc3: {  	s0 =	sadd.s32 $0x8F2B, s0  }
0xc4: {  	[sflag:s0] =	ssyncadd.remote.s32 $0x1  }
0xc5: {  	_ =	sfence.sel $0xFFFF  }
0xc6: {  	[dreg:$0x0] =	wrdreg $0xFFFFFFFF;
	(pc) =	sbr.abs _section_cstart, $3  }
0xc7: {  	[dreg:$0x1] =	wrdreg $0xFFFFFFFF  }
0xc8: {  	_ =	task.clear_ibuf [dreg:s8], $0x2FFFF;
	_ =	strace $0x9FFFFFFF  }
0xc9: {  	(tm) =	ssettm $0x7FFFFFFF  }
tec
execute0_lowered:
.L_overlay_start_1:
0x0: {  	(tag) =	ssettag $0x1  }
0x1: {  	s1 =	rddreg [dreg:$0x0]  }
0x2: {  	s9 =	rddreg [dreg:$0x1]  }
0x3: {  	s2 =	rddreg [dreg:$0x2]  }
0x4: {  	s0 =	rddreg [dreg:$0x3];
	s3 =	simm.s32 $0x0  }
0x5: {  	s4 =	srdreg.scid;
	s5 =	stileid.u32;
	s12 =	simm.s32 $0x3  }
0x6: {  	s13 =	simm.s32 $0x320;
	s14 =	simm.s32 $0x1;
	s15 =	simm.s32 $0x640  }
0x7: {  	s16 =	simm.s32 $0xC80;
	s17 =	simm.s32 $0x960;
	s18 =	simm.s32 $0x7080  }
.Ltmp0:
0x8: {  	s19 =	simm.s32 $0x2;
	s4 =	sand.u32 $0x1, s4;
	(pc) =	sbr.rel .LBB2_1-.Ltmp0, $4  }
0x9: {  	s20 =	simm.s32 $0x0;
	[smem:$0x7FF] =	sst s3;
	s10 =	ssub.s32 $0x2, s4  }
0xa: {  	s6 =	sadd.s32 $0x727200, s9;
	s7 =	sadd.s32 $0x293400, s9;
	s11 =	sshrl.u32 s10, $0x1  }
0xb: {  	s8 =	sadd.s32 $0x106800, s9;
	s9 =	sadd.s32 $0xA34600, s9;
	s11 =	ssub.s32 s10, s11  }
0xc: {  	_ =	strace $0x80000050;
	s10 =	sshll.u32 s5, $0x1;
	s11 =	smax.u32 s11, $0x1  }
.LBB2_9:
0xd: {  	s20 =	sadd.s32 $0x1, s20  }
0xe: {  	p0 =	sne.s32 s20, s11  }
.Ltmp1:
0xf: {  	_ = 	snop;
	(pc) =	sbr.rel @!p0 .LBB2_10-.Ltmp1, $1  }
0x10: {  	_ =	sdelay $0x3  }
.LBB2_1:
.Ltmp2:
0x11: {  	(pc) =	sbr.rel .LBB2_2-.Ltmp2, $2  }
0x12: {  	_ =	sdelay $0x2  }
0x13: {  	s21 =	simm.s32 $0x0  }
.LBB2_8:
0x14: {  	s21 =	sadd.s32 $0x1, s21  }
0x15: {  	p0 =	sne.s32 s21, $0x28  }
.Ltmp3:
0x16: {  	_ = 	snop;
	(pc) =	sbr.rel @!p0 .LBB2_9-.Ltmp3, $1  }
0x17: {  	_ =	sdelay $0x3  }
.LBB2_2:
0x18: {  	s22 =	sshll.u32 s21, $0x5  }
0x19: {  	s22 =	sor.u32 s10, s22  }
0x1a: {  	p0 =	sgt.u32 s22, $0x4E1  }
.Ltmp4:
0x1b: {  	_ = 	snop;
	(pc) =	sbr.rel @p0 .LBB2_8-.Ltmp4, $1  }
0x1c: {  	_ =	sdelay $0x3  }
0x1d: {  	s22 =	sor.u32 s4, s22  }
0x1e: {  	s23 =	smul.u32 $0x64, s22;
	_ =	sdelay $0x1  }
0x1f: {  	s24 =	simm.s32 $0x0;
	s23 =	sadd.s32 s1, s23  }
0x20: {  	[tilespmem:s24], [sflag:$0x3] =	stream.linear.gather [hbm4b:s23+s24], $0x320, $0x38;
	[tilespmem:$0xD480] =	vst v63  }
0x21: {  	_ =	swait.ge [sflag:s12], $0x320  }
0x22: {  	[sflag:s12] =	ssyncset.done $0x0  }
0x23: {  	[sflag:s12] =	ssyncadd.s32 $0xFFFFFCE0  }
0x24: {  	[tilespmem:s13], [sflag:$0x1] =	stream.indirect.gather [hbm4b:s8+s13], $0x1, s24, s13, $0xb8;
	[tilespmem:$0xD480] =	vst v63  }
0x25: {  	_ =	swait.ge [sflag:s14], $0x320  }
0x26: {  	[sflag:s14] =	ssyncset.done $0x0  }
0x27: {  	s23 =	simm.s32 $0x0;
	[sflag:s14] =	ssyncadd.s32 $0xFFFFFCE0  }
0x28: {  	s25 =	simm.s32 $0x0;
	s24 =	simm.s32 $0x40;
	v0 =	vld [tilespmem:s23+$0x0]  }
.LBB2_4:
0x29: {  	p0 =	sne.s32 s24, $0xC40  }
.Ltmp5:
0x2a: {  	_ = 	snop;
	(pc) =	sbr.rel @p0 .LBB2_4-.Ltmp5, $3  }
0x2b: {  	_ =	sdelay $0x1  }
0x2c: {  	s26 =	sshra.s32 s24, $0x2;
	s24 =	sadd.s32 $0x40, s24;
	v1 =	vshll.u32 v0, $0x2  }
0x2d: {  	v0 =	vld [tilespmem:s26+$0x0];
	[tilespmem:s25+$0x640] =	vst v1;
	s25 =	smov.u32 s26  }
0x2e: {  	_ =	sdelay $0x3  }
0x2f: {  	v0 =	vshll.u32 v0, $0x2  }
0x30: {  	[tilespmem:s25+$0x640] =	vst v0  }
0x31: {  	s24 =	simm.s32 $0x40;
	v0 =	vld [tilespmem:s23+$0x320]  }
.LBB2_6:
0x32: {  	p0 =	sne.s32 s24, $0xC40  }
.Ltmp6:
0x33: {  	_ = 	snop;
	(pc) =	sbr.rel @p0 .LBB2_6-.Ltmp6, $3  }
0x34: {  	_ =	sdelay $0x1  }
0x35: {  	s25 =	sshra.s32 s24, $0x2;
	s24 =	sadd.s32 $0x40, s24;
	v1 =	vshll.u32 v0, $0x2  }
0x36: {  	v0 =	vld [tilespmem:s25+$0x320];
	[tilespmem:s23+$0x960] =	vst v1;
	s23 =	smov.u32 s25  }
0x37: {  	_ =	sdelay $0x3  }
0x38: {  	v0 =	vshll.u32 v0, $0x2  }
0x39: {  	[tilespmem:s23+$0x960] =	vst v0  }
0x3a: {  	[tilespmem:s16], [sflag:$0x1] =	stream.indirect.gather [hbm4b:s6+s13], $0x20, s15, s13, $0xb8;
	[tilespmem:$0xD480] =	vst v63  }
0x3b: {  	_ =	swait.ge [sflag:s14], $0x6400  }
0x3c: {  	[sflag:s14] =	ssyncset.done $0x0  }
0x3d: {  	[sflag:s14] =	ssyncadd.s32 $0xFFFF9C00  }
0x3e: {  	[tilespmem:s18], [sflag:$0x1] =	stream.indirect.gather [hbm4b:s7+s13], $0x20, s17, s13, $0xb8;
	[tilespmem:$0xD480] =	vst v63  }
0x3f: {  	s22 =	smul.u32 $0xC80, s22;
	_ =	swait.ge [sflag:s14], $0x6400  }
0x40: {  	[sflag:s14] =	ssyncset.done $0x0  }
0x41: {  	s31 =	sadd.s32 s2, s22;
	[sflag:s14] =	ssyncadd.s32 $0xFFFF9C00  }
0x42: {  	[hbm4b:s31+s3] =	stream.linear.scatter [tilespmem:s16], [sflag:$0x3], $0x6400, $0x38;
	[tilespmem:$0xD480] =	vst v63  }
0x43: {  	_ =	swait.ge [sflag:s12], $0x6400  }
0x44: {  	[sflag:s12] =	ssyncset.done $0x0  }
.Ltmp7:
0x45: {  	s22 =	sadd.s32 s9, s22;
	[sflag:s12] =	ssyncadd.s32 $0xFFFF9C00;
	(pc) =	sbr.rel .LBB2_8-.Ltmp7, $4  }
0x46: {  	[hbm4b:s22+s3] =	stream.linear.scatter [tilespmem:s18], [sflag:$0x2], $0x6400, $0x38;
	[tilespmem:$0xD480] =	vst v63  }
0x47: {  	_ =	swait.ge [sflag:s19], $0x6400  }
0x48: {  	[sflag:s19] =	ssyncset.done $0x0  }
0x49: {  	[sflag:s19] =	ssyncadd.s32 $0xFFFF9C00  }
.LBB2_10:
0x4a: {  	_ =	sfence.sel $0x180000  }
0x4b: {  	[bflag:$0x0] =	sbarrier.arrive $0xFFFF  }
0x4c: {  	p0 =	sne.s32 s5, $0x0;
	_ =	strace $0x90000050  }
0x4d: {  	s0 =	sadd.s32 @!p0 $0x100000, s0;
	[bflag:$0x2] =	sbarrier.arrive $0xFFFF  }
0x4e: {  	[sflag:s0] =	ssyncadd.tile.s32 @!p0 $0x1;
	_ =	shalt  }
.Lfunc_end2:
_tile_overlayer_lowered:
.L_overlay_start_2:
0x4f: {  	(tag) =	ssettag $0x2  }
0x50: {  	s0 =	rddreg [dreg:$0x0];
	s2 =	stileid.u32  }
0x51: {  	s1 =	rddreg [dreg:$0x1];
	p0 =	sne.s32 s2, $0x0  }
0x52: {  	s3 =	rddreg [dreg:$0x2];
	[bflag:$0x3] =	sbarrier.arrive $0xFFFF;
	s2 =	simm.s32 @!p0 $0x1C02  }
0x53: {  	[timem:s3], [sflag:s2] =	dma.local @!p0 [hbm:s0], s1  }
0x54: {  	s0 =	simm.s32 @!p0 $0x2  }
0x55: {  	_ =	swait.ge @!p0 [sflag:s0], s1  }
0x56: {  	s1 =	ssub.s32 @!p0 $0x0, s1;
	[sflag:s0] =	ssyncset.done @!p0 $0x0  }
0x57: {  	[sflag:s0] =	ssyncadd.s32 @!p0 s1  }
0x58: {  	[bflag:$0x3] =	sbarrier.arrive $0xFFFF  }
0x59: {  	_ =	shalt  }

// kernel: scatter_offload_async_start
scs
__scs_entry_jumppad:
0x0: {  	(pc) =	sbr.rel $0x88, $3  }
0x1: {  	(tag) =	ssettag $0x0;
	lr =	simm.s32 $0x1  }
0x2: {  	[smem:$0x3F96] =	sst lr;
	_ =	strace $0xD0000000  }
0x3: {  	_ = 	snop  }
0x4: {  	_ = 	snop  }
0x5: {  	_ = 	snop  }
0x6: {  	_ = 	snop  }
0x7: {  	_ = 	snop  }
__scs_overlays_trampoline_lowered:
0x8: {  	[smem:$0x3FA5] =	sst s0  }
0x9: {  	[smem:$0x3FA6] =	sst s1  }
0xa: {  	[smem:$0x3FA7] =	sst s2  }
0xb: {  	[smem:$0x3FA8] =	sst s3  }
0xc: {  	[smem:$0x3FA9] =	sst s4  }
0xd: {  	[smem:$0x3FAA] =	sst s5  }
0xe: {  	[smem:$0x3FAB] =	sst s6  }
0xf: {  	[smem:$0x3FAC] =	sst s7  }
0x10: {  	[smem:$0x3FAD] =	sst s8  }
0x11: {  	[smem:$0x3FAE] =	sst s9;
	s0 =	simm.s32 @!p0 $0x0  }
0x12: {  	s1 =	sld [smem:$0x3F94];
	s0 =	simm.s32 @p0 $0x1  }
0x13: {  	[smem:$0x3FAF] =	sst s0;
	s0 =	simm.s32 @!p1 $0x0  }
0x14: {  	s2 =	sld [smem:$0x3F93];
	s0 =	simm.s32 @p1 $0x1  }
0x15: {  	[smem:$0x3FB0] =	sst s0;
	s0 =	simm.s32 @!p2 $0x0  }
0x16: {  	s3 =	sld [smem:$0x3FDB];
	s0 =	simm.s32 @p2 $0x1  }
0x17: {  	s4 =	simm.s32 $0x1BF5;
	[smem:$0x3FB2] =	sst s0  }
0x18: {  	s0 =	sld [smem:$0x3F95];
	_ =	swait.ge [sflag:s4], $0x0  }
0x19: {  	s7 =	sld [smem:$0x3F96]  }
0x1a: {  	s8 =	sadd.s32 $0xFFFFE003, lr  }
0x1b: {  	s9 =	sadd.s32 $0xFFFFFEF7, lr;
	s5 =	simm.s32 $0xFFFFFFFF;
	p2 =	slt.u32 s8, $0xFFFFF086  }
0x1c: {  	p1 =	slt.u32 s9, $0xF7A;
	s5 =	simm.s32 @!p2 $0x0  }
0x1d: {  	s5 =	simm.s32 @p1 $0x1;
	p0 =	seq.s32 s7, s2  }
0x1e: {  	s7 =	smul.u32 @!p0 $0xF7A, s2;
	p2 =	seq.s32 @!p0 s5, $0x0  }
0x1f: {  	s9 =	smul.u32 $0xF7A, s1;
	s8 =	simm.s32 @!p0 $0x1BF5;
	p2 =	por !p2, p0  }
0x20: {  	[sflag:s8] =	ssyncset.s32 @!p0 $0xFFFFF086;
	s6 =	sadd.s32 @!p0 s3, s7;
	s7 =	simm.s32 @!p0 $0x108  }
0x21: {  	s3 =	sadd.s32 s3, s9;
	s6 =	sadd.s32 @!p0 $0x88, s6;
	s7 =	simm.s32 @p2 $0x1082  }
0x22: {  	[simem:s7], [sflag:s8] =	dma.local @!p0 [hbm:s6], $0xF7A  }
0x23: {  	s9 =	sor.u32 $0xD0000000, s2;
	s6 =	simm.s32 $0x108;
	_ =	swait.ge @!p0 [sflag:s8], $0x0  }
0x24: {  	s3 =	sadd.s32 $0x88, s3;
	s6 =	simm.s32 @!p1 $0x1082;
	[sflag:s4] =	ssyncset.s32 $0xFFFFF086  }
0x25: {  	[simem:s6], [sflag:s4] =	dma.local [hbm:s3], $0xF7A  }
0x26: {  	[smem:$0x3F96] =	sst s1;
	(tag) =	ssettag s2;
	_ =	strace s9  }
0x27: {  	s1 =	sld [smem:$0x3FA6]  }
0x28: {  	s2 =	sld [smem:$0x3FA7]  }
0x29: {  	s4 =	sld [smem:$0x3FA9]  }
0x2a: {  	p0 =	seq.s32 s5, $0x0;
	s5 =	sld [smem:$0x3FAA]  }
0x2b: {  	s6 =	sld [smem:$0x3FAB]  }
0x2c: {  	s7 =	sld [smem:$0x3FAC]  }
0x2d: {  	s3 =	simm.s32 $0x108;
	s8 =	sld [smem:$0x3FAD]  }
0x2e: {  	s3 =	simm.s32 @!p0 $0x1082;
	s9 =	sld [smem:$0x3FAE]  }
0x2f: {  	lr =	sadd.s32 s0, s3;
	s0 =	sld [smem:$0x3FA5]  }
0x30: {  	s3 =	sld [smem:$0x3FA8]  }
0x31: {  	[smem:$0x3FB1] =	sst s10  }
0x32: {  	s10 =	sld [smem:$0x3FAF];
	_ =	sdelay $0x3  }
0x33: {  	p0 =	seq.s32 s10, $0x1;
	s10 =	sld [smem:$0x3FB1];
	_ =	sdelay $0x3  }
0x34: {  	[smem:$0x3FB1] =	sst s10  }
0x35: {  	s10 =	sld [smem:$0x3FB0];
	_ =	sdelay $0x3  }
0x36: {  	p1 =	seq.s32 s10, $0x1;
	s10 =	sld [smem:$0x3FB1];
	_ =	sdelay $0x3  }
0x37: {  	[smem:$0x3FB1] =	sst s10  }
0x38: {  	s10 =	sld [smem:$0x3FB2]  }
0x39: {  	_ = 	snop;
	(pc) =	sbr.ind lr, $3  }
0x3a: {  	_ = 	snop  }
0x3b: {  	_ = 	snop  }
0x3c: {  	p2 =	seq.s32 s10, $0x1;
	s10 =	sld [smem:$0x3FB1]  }
0x3d: {  	_ =	shalt  }
0x3e: {  	_ =	shalt  }
0x3f: {  	_ =	shalt  }
0x40: {  	_ =	shalt  }
0x41: {  	_ =	shalt  }
0x42: {  	_ =	shalt  }
0x43: {  	_ =	shalt  }
0x44: {  	_ =	shalt  }
0x45: {  	_ =	shalt  }
0x46: {  	_ =	shalt  }
0x47: {  	_ =	shalt  }
0x48: {  	_ =	shalt  }
0x49: {  	_ =	shalt  }
0x4a: {  	_ =	shalt  }
0x4b: {  	_ =	shalt  }
0x4c: {  	_ =	shalt  }
0x4d: {  	_ =	shalt  }
0x4e: {  	_ =	shalt  }
0x4f: {  	_ =	shalt  }
0x50: {  	_ =	shalt  }
0x51: {  	_ =	shalt  }
0x52: {  	_ =	shalt  }
0x53: {  	_ =	shalt  }
0x54: {  	_ =	shalt  }
0x55: {  	_ =	shalt  }
0x56: {  	_ =	shalt  }
0x57: {  	_ =	shalt  }
0x58: {  	_ =	shalt  }
0x59: {  	_ =	shalt  }
0x5a: {  	_ =	shalt  }
0x5b: {  	_ =	shalt  }
0x5c: {  	_ =	shalt  }
0x5d: {  	_ =	shalt  }
0x5e: {  	_ =	shalt  }
0x5f: {  	_ =	shalt  }
0x60: {  	_ =	shalt  }
0x61: {  	_ =	shalt  }
0x62: {  	_ =	shalt  }
0x63: {  	_ =	shalt  }
0x64: {  	_ =	shalt  }
0x65: {  	_ =	shalt  }
0x66: {  	_ =	shalt  }
0x67: {  	_ =	shalt  }
0x68: {  	_ =	shalt  }
0x69: {  	_ =	shalt  }
0x6a: {  	_ =	shalt  }
0x6b: {  	_ =	shalt  }
0x6c: {  	_ =	shalt  }
0x6d: {  	_ =	shalt  }
0x6e: {  	_ =	shalt  }
0x6f: {  	_ =	shalt  }
0x70: {  	_ =	shalt  }
0x71: {  	_ =	shalt  }
0x72: {  	_ =	shalt  }
0x73: {  	_ =	shalt  }
0x74: {  	_ =	shalt  }
0x75: {  	_ =	shalt  }
0x76: {  	_ =	shalt  }
0x77: {  	_ =	shalt  }
0x78: {  	_ =	shalt  }
0x79: {  	_ =	shalt  }
0x7a: {  	_ =	shalt  }
0x7b: {  	_ =	shalt  }
0x7c: {  	_ =	shalt  }
0x7d: {  	_ =	shalt  }
0x7e: {  	_ =	shalt  }
0x7f: {  	_ =	shalt  }
0x80: {  	_ =	shalt  }
0x81: {  	_ =	shalt  }
0x82: {  	_ =	shalt  }
0x83: {  	_ =	shalt  }
0x84: {  	_ =	shalt  }
0x85: {  	_ =	shalt  }
0x86: {  	_ =	shalt  }
0x87: {  	_ =	shalt  }
.Lfunc_end0:
.L_simem_size_0:
called_computation_lowered:
.L_overlay_start_0:
0x88: {  	s2 =	sld [smem:$0x3FD9]  }
0x89: {  	s3 =	sld [smem:$0x3FFE];
	_ =	sdelay $0x1  }
0x8a: {  	s1 =	srdreg.scid  }
0x8b: {  	s0 =	sand.u32 $0x1, s1  }
0x8c: {  	s13 =	sshll.u32 s0, $0xA;
	s2 =	sadd.s32 s3, s2  }
0x8d: {  	s2 =	sadd.s32 s2, s13  }
0x8e: {  	[smem:$0x3FBD] =	sst s2  }
0x8f: {  	_ = 	snop  }
0x90: {  	s2 =	sld [smem:$0x3FD0];
	_ =	sdelay $0x2  }
0x91: {  	s14 =	simm.s32 $0xA;
	s4 =	simm.s32 $0x10  }
0x92: {  	[smem:s4], [sflag:s14] =	dma.local [hbm:s2], $0x1  }
0x93: {  	_ =	swait.eq [sflag:s14], $0x1  }
0x94: {  	[sflag:s14] =	ssyncset.done $0x0  }
0x95: {  	[sflag:s14] =	ssyncadd.s32 $0xFFFFFFFF  }
0x96: {  	s15 =	sld [smem:$0x11];
	(tm) =	ssettm $0x1  }
0x97: {  	s16 =	sld [smem:$0x3FFB];
	_ =	sdelay $0x3  }
0x98: {  	_ =	strace s16  }
0x99: {  	s3 =	sld [smem:$0x3FFC];
	_ =	sdelay $0x3  }
0x9a: {  	_ =	strace s3  }
0x9b: {  	s3 =	sld [smem:$0x3FFD];
	_ =	sdelay $0x3  }
0x9c: {  	_ =	strace s3  }
0x9d: {  	_ =	strace $0x8FFFFFFF  }
0x9e: {  	s17 =	sld [smem:$0x3FDB];
	_ =	sdelay $0x1  }
0x9f: {  	s18 =	simm.s32 $_scs_section_size  }
0xa0: {  	s5 =	simm.s32 $_size__tile_overlayer_lowered;
	s6 =	simm.s32 $_tile_overlayer_lowered  }
0xa1: {  	s21 =	simm.s32 $0x1BFF;
	s20 =	sshll.u32 s6, $0x1;
	s3 =	sadd.s32 s18, s17  }
0xa2: {  	s7 =	simm.s32 $0x0;
	s19 =	sshll.u32 s5, $0x1;
	s5 =	sadd.s32 s20, s3  }
0xa3: {  	[timem:s7], [sflag:s21] =	dma.local [hbm:s5], s19  }
0xa4: {  	_ =	swait.ge [sflag:s21], s19  }
0xa5: {  	s4 =	ssub.s32 $0x0, s19;
	[sflag:s21] =	ssyncset.done $0x0  }
0xa6: {  	[sflag:s21] =	ssyncadd.s32 s4;
	_ =	sdelay $0x1  }
0xa7: {  	s22 =	simm.s32 $0x1B8B  }
0xa8: {  	_ =	swait.ge [sflag:s22], $0x1  }
0xa9: {  	[sflag:s22] =	ssyncset.done $0x0  }
0xaa: {  	s23 =	sld [smem:$0x3FFE];
	[sflag:s22] =	ssyncadd.s32 $0xFFFFFFFF  }
0xab: {  	s25 =	simm.s32 $0x1B8E;
	s24 =	sld [smem:$0x0]  }
0xac: {  	s26 =	simm.s32 $execute0_lowered;
	[smem:$0x3FD2] =	sst s25  }
0xad: {  	s6 =	sshll.u32 s26, $0x1;
	_ =	strace $0x8000004C;
	[dreg:$0x1] =	wrdreg $0xFFFFFFFF  }
0xae: {  	s28 =	simm.s32 $_size_execute0_lowered;
	s3 =	sadd.s32 s3, s6;
	[dreg:$0x0] =	wrdreg $0x0  }
0xaf: {  	s6 =	sshll.u32 s28, $0x1;
	[dreg:$0x2] =	wrdreg s3  }
0xb0: {  	[dreg:$0x3] =	wrdreg s6  }
0xb1: {  	[dreg:$0x4] =	wrdreg $0xC0  }
0xb2: {  	_ =	task [dreg:s7], $0x5FFFF  }
0xb3: {  	[dreg:$0x1] =	wrdreg $0xFFFFFFFF  }
0xb4: {  	[dreg:$0x0] =	wrdreg $0x60  }
0xb5: {  	[dreg:$0x2] =	wrdreg s23  }
0xb6: {  	[dreg:$0x3] =	wrdreg s15  }
0xb7: {  	[dreg:$0x4] =	wrdreg s1  }
0xb8: {  	[dreg:$0x5] =	wrdreg s24  }
0xb9: {  	[dreg:$0x6] =	wrdreg $0x9  }
0xba: {  	_ =	task.clear_ibuf [dreg:s7], $0x7FFFF;
	_ =	strace $0x9000004C  }
0xbb: {  	s29 =	simm.s32 $0x9;
	_ =	strace $0x8000004E  }
0xbc: {  	_ =	swait.ge [sflag:s29], $0x1  }
0xbd: {  	[sflag:s29] =	ssyncadd.s32 $0xFFFFFFFF  }
0xbe: {  	_ =	strace $0x9000004E  }
0xbf: {  	_ =	sfence  }
0xc0: {  	s30 =	sld [smem:$0x0];
	_ =	sdelay $0x2  }
0xc1: {  	s31 =	sshll.u32 s1, $0xD;
	s1 =	sshrl.u32 s1, $0x2  }
0xc2: {  	s3 =	sand.u32 $0x4000, s31;
	s1 =	sadd.s32 s1, s30  }
0xc3: {  	s0 =	sor.u32 s3, s0;
	s1 =	sshll.u32 s1, $0x11  }
0xc4: {  	s0 =	sor.u32 s1, s0  }
0xc5: {  	s0 =	sadd.s32 $0x8F2B, s0  }
0xc6: {  	[sflag:s0] =	ssyncadd.remote.s32 $0x1  }
0xc7: {  	_ =	sfence.sel $0xFFFF  }
0xc8: {  	[dreg:$0x0] =	wrdreg $0xFFFFFFFF;
	(pc) =	sbr.abs _section_cstart, $3  }
0xc9: {  	[dreg:$0x1] =	wrdreg $0xFFFFFFFF  }
0xca: {  	_ =	task.clear_ibuf [dreg:s7], $0x2FFFF;
	_ =	strace $0x9FFFFFFF  }
0xcb: {  	(tm) =	ssettm $0x7FFFFFFF  }
tec
execute0_lowered:
.L_overlay_start_1:
0x0: {  	(tag) =	ssettag $0x1  }
0x1: {  	s0 =	rddreg [dreg:$0x0]  }
0x2: {  	s15 =	rddreg [dreg:$0x1]  }
0x3: {  	s2 =	rddreg [dreg:$0x2];
	_ =	strace $0x8000004D;
	s1 =	simm.s32 $0x1  }
0x4: {  	s9 =	simm.s32 $0x108;
	v0 =	vimm.s32 $0x0;
	[sflag:s1] =	ssyncpa.u1 $0x0  }
0x5: {  	[tilespmem:s9+$0x70] =	vst v0  }
0x6: {  	[tilespmem:s9+$0x60] =	vst v0  }
0x7: {  	[tilespmem:s9+$0x50] =	vst v0  }
0x8: {  	[tilespmem:s9+$0x40] =	vst v0  }
0x9: {  	[tilespmem:s9+$0x30] =	vst v0  }
0xa: {  	s1 =	sadd.s32 $0x293400, s0;
	s6 =	sadd.s32 $0x10CA00, s0;
	[tilespmem:s9+$0x20] =	vst v0  }
0xb: {  	s14 =	sadd.s32 $0x3600, s0;
	s5 =	sand.u32 $0x1, s2;
	s0 =	simm.s32 $0x40;
	[tilespmem:s9+$0x10] =	vst v0  }
.LBB2_1:
0xc: {  	s0 =	sadd.s32 $0x40, s0;
	[tilespmem:s9+$0x0] =	vst v0;
	s9 =	sadd.s32 $0x80, s9  }
0xd: {  	p0 =	slt.u32 s0, $0x3C40;
	[tilespmem:s9+$0x70] =	vst v0  }
0xe: {  	[tilespmem:s9+$0x60] =	vst v0  }
.Ltmp0:
0xf: {  	[tilespmem:s9+$0x50] =	vst v0;
	(pc) =	sbr.rel @p0 .LBB2_1-.Ltmp0, $4  }
0x10: {  	[tilespmem:s9+$0x40] =	vst v0  }
0x11: {  	[tilespmem:s9+$0x30] =	vst v0  }
0x12: {  	[tilespmem:s9+$0x20] =	vst v0  }
0x13: {  	[tilespmem:s9+$0x10] =	vst v0  }
0x14: {  	s16 =	stileid.u32  }
0x15: {  	s0 =	simm.s32 $0x1;
	p0 =	sne.s32 s16, $0x0;
	s2 =	smul.u32 $0xD, s16  }
0x16: {  	s0 =	simm.s32 @!p0 $0x0  }
0x17: {  	s0 =	sadd.s32 s0, s2  }
0x18: {  	p1 =	seq.s32 s16, $0x0;
	s7 =	smul.u32 $0xF0, s0;
	s0 =	simm.s32 $0xD20  }
0x19: {  	s0 =	simm.s32 @!p1 $0xC30  }
0x1a: {  	s0 =	sadd.s32 s0, s7  }
0x1b: {  	s8 =	smin.u32 s0, $0xC350  }
0x1c: {  	s0 =	ssub.s32 s8, s7  }
0x1d: {  	p1 =	sgt.s32 s0, $0x0  }
0x1e: {  	s3 =	simm.s32 $0x2;
	s10 =	simm.s32 $0x9;
	s0 =	simm.s32 @!p1 $0x0  }
0x1f: {  	s4 =	simm.s32 $0xA;
	s11 =	simm.s32 $0xB;
	s29 =	smul.u32 $0x8889, s0  }
0x20: {  	[dreg:$0x5] =	wrdreg s5;
	s31 =	smul.u32 $0x186A, s5;
	s12 =	simm.s32 $0x1  }
0x21: {  	s22 =	simm.s32 $0x0;
	s18 =	simm.s32 $0xC;
	s2 =	sshrl.u32 s29, $0x17  }
0x22: {  	s20 =	simm.s32 $0x0;
	s21 =	simm.s32 $0x0;
	s30 =	smul.u32 $0xF0, s2  }
.Ltmp1:
0x23: {  	[tilespmem:s9+$0x0] =	vst v0;
	v0 =	vimm.s32 $0xFFFFFFFF;
	[sflag:s3] =	ssyncpa.u1 $0x0;
	s16 =	sshll.u32 s16, $0x8;
	(pc) =	sbr.rel .LBB2_3-.Ltmp1, $4  }
0x24: {  	[tilespmem:$0xF208] =	vst v0;
	[sflag:s10] =	ssyncpa.u1 $0x0;
	p1 =	sne.s32 s0, s30;
	s0 =	simm.s32 $0x1  }
0x25: {  	s14 =	sadd.s32 s31, s14;
	[sflag:s4] =	ssyncpa.u1 $0x0;
	s0 =	simm.s32 @!p1 $0x0  }
0x26: {  	s15 =	sadd.s32 s31, s15;
	[sflag:s11] =	ssyncpa.u1 $0x0;
	s13 =	sadd.s32 s2, s0  }
0x27: {  	v0 =	vlaneseq.u32;
	s19 =	smov.u32 s7;
	p1 =	por $0x0, $0x0;
	s17 =	sadd.s32 $0x1, s13  }
.LBB2_18:
0x28: {  	s0 =	sshrl.u32 s31, $0x2  }
.LBB2_20:
0x29: {  	_ =	swait.ge [sflag:s18], s0  }
0x2a: {  	s31 =	ssub.s32 $0x0, s0;
	v1 =	vmov s24;
	vm0 =	veq.s32 v0, $0x0;
	[sflag:s18] =	ssyncset.done $0x0  }
0x2b: {  	vm15 =	veq.s32 v0, $0x2;
	v1 =	vsel vm0, s30, v1;
	[sflag:s18] =	ssyncadd.s32 s31  }
0x2c: {  	v1 =	vsel vm15, s22, v1;
	[sflag:s18] =	ssyncpa.u1 $0x1  }
0x2d: {  	[tilespmem:$0xF208] =	vst v1  }
.LBB2_21:
0x2e: {  	s0 =	sadd.s32 $0xF0, s19  }
0x2f: {  	s2 =	smov.u32 s7;
	p2 =	slt.s32 s0, s8  }
0x30: {  	s2 =	smov.u32 @p2 s0;
	p2 =	sne.s32 s21, s17  }
.Ltmp2:
0x31: {  	_ = 	snop;
	(pc) =	sbr.rel @!p2 .LBB2_22-.Ltmp2, $3  }
0x32: {  	_ =	sdelay $0x1  }
0x33: {  	s22 =	smov.u32 s20;
	s31 =	sadd.s32 $0x1, s21;
	s20 =	smov.u32 s19  }
0x34: {  	p1 =	por !p1, !p1;
	s21 =	smov.u32 s31;
	s19 =	smov.u32 s2  }
.LBB2_3:
0x35: {  	p2 =	sge.u32 s21, s13  }
0x36: {  	s0 =	smulhi.u32 @!p2 $0xAAAAAAAB, s21  }
0x37: {  	s2 =	smov.u32 s19;
	p3 =	sgt.s32 @!p2 s19, $0xC260  }
0x38: {  	s3 =	sshra.s32 @!p2 s19, $0x1F;
	p3 =	por !p3, p2;
	s0 =	sshrl.u32 @!p2 s0, $0x1  }
0x39: {  	s3 =	sand.u32 @!p2 s3, s19;
	s2 =	simm.s32 @p3 $0xC260;
	s0 =	smul.u32 @!p2 $0x3, s0  }
0x3a: {  	s2 =	ssub.s32 @!p2 s2, s3  }
0x3b: {  	s2 =	sadd.s32 @!p2 $0xFFFF3DA0, s2;
	s0 =	ssub.s32 @!p2 s21, s0  }
0x3c: {  	s3 =	sshll.u32 @!p2 s2, $0x2;
	p3 =	sgt.s32 @!p2 s2, $0xEF;
	s0 =	smul.u32 @!p2 $0x3C0, s0  }
0x3d: {  	s4 =	sand.u32 @!p2 $0x7, s19;
	s2 =	ssub.s32 @!p2 $0x3C0, s3;
	p3 =	por !p3, p2  }
0x3e: {  	s3 =	sshrl.u32 @!p2 s19, $0x3;
	s2 =	sshrl.u32 @!p2 s2, $0x2;
	s0 =	sshrl.u32 @!p2 s0, $0x2  }
0x3f: {  	s3 =	sadd.s32 @!p2 s3, s14;
	s2 =	simm.s32 @!p3 $0x0;
	s0 =	sadd.s32 @!p2 $0x10248, s0  }
0x40: {  	[tilespmem:s0], [sflag:$0xA] =	stream.linear.gather @!p2 [hbm4b:s3+s4], s2, $0x38;
	[tilespmem:$0x1F6F8] =	vst v63  }
0x41: {  	s0 =	sadd.s32 $0xFFFFFFFF, s21  }
0x42: {  	p2 =	sge.u32 s0, s13  }
0x43: {  	p3 =	sgt.s32 @!p2 s20, $0xC260  }
0x44: {  	s2 =	smov.u32 s20;
	s3 =	sshra.s32 @!p2 s20, $0x1F;
	p3 =	por !p3, p2  }
0x45: {  	s3 =	sand.u32 @!p2 s3, s20;
	s2 =	simm.s32 @p3 $0xC260  }
0x46: {  	s2 =	ssub.s32 @!p2 s2, s3  }
0x47: {  	s2 =	sadd.s32 @!p2 $0xFFFF3DA0, s2  }
0x48: {  	s4 =	sand.u32 @!p2 $0x1, s0;
	s3 =	sshll.u32 @!p2 s2, $0x2  }
0x49: {  	p3 =	sgt.s32 @!p2 s2, $0xEF;
	s2 =	ssub.s32 @!p2 $0x3C0, s3;
	s3 =	smulhi.u32 @!p2 $0xAAAAAAAB, s0  }
0x4a: {  	s23 =	smul.u32 @!p2 $0x3C0, s4;
	p3 =	por !p3, p2;
	s2 =	sshrl.u32 @!p2 s2, $0x2  }
0x4b: {  	s5 =	simm.s32 @!p2 $0xA;
	s2 =	simm.s32 @!p3 $0x0;
	s3 =	sshrl.u32 @!p2 s3, $0x1  }
0x4c: {  	s23 =	sshrl.u32 @!p2 s23, $0x2;
	_ =	swait.ge @!p2 [sflag:s5], s2;
	s3 =	smul.u32 @!p2 $0x3, s3  }
0x4d: {  	s23 =	sadd.s32 @!p2 $0x10518, s23;
	s24 =	ssub.s32 @!p2 $0x0, s2;
	[sflag:s5] =	ssyncset.done @!p2 $0x0  }
0x4e: {  	[sflag:s5] =	ssyncadd.s32 @!p2 s24;
	s5 =	sshrl.u32 @!p2 s20, $0x3;
	s0 =	ssub.s32 @!p2 s0, s3  }
0x4f: {  	s24 =	sand.u32 @!p2 $0x7, s20;
	s5 =	sadd.s32 @!p2 s5, s15;
	s0 =	smul.u32 @!p2 $0x3C0, s0  }
0x50: {  	[tilespmem:s23], [sflag:$0xB] =	stream.linear.gather @!p2 [hbm4b:s5+s24], s2, $0x38;
	[tilespmem:$0x1F6F8] =	vst v63  }
0x51: {  	s3 =	ssub.s32 @!p2 $0xC350, s20;
	s2 =	smul.u32 @!p2 $0x1E000, s4  }
0x52: {  	p3 =	slt.s32 @!p2 s3, $0xF0  }
0x53: {  	p3 =	por !p3, p2;
	s0 =	sshrl.u32 @!p2 s0, $0x2;
	s2 =	sshrl.u32 @!p2 s2, $0x2  }
0x54: {  	s3 =	simm.s32 @p3 $0xF0;
	s0 =	sadd.s32 @!p2 $0x10248, s0;
	s2 =	sor.u32 @!p2 $0x106F8, s2  }
0x55: {  	[tilespmem:s2], [sflag:$0x9] =	stream.indirect.gather @!p2 [hbm4b:s6+s3], $0x80, s0, s3, $0xb8;
	[tilespmem:$0x1F6F8] =	vst v63  }
0x56: {  	p2 =	slt.u32 s21, $0x2  }
.Ltmp3:
0x57: {  	_ = 	snop;
	(pc) =	sbr.rel @p2 .LBB2_21-.Ltmp3, $1  }
0x58: {  	_ =	sdelay $0x3  }
0x59: {  	p2 =	sgt.s32 s22, $0xC260  }
0x5a: {  	s0 =	smov.u32 s22;
	s2 =	sshra.s32 s22, $0x1F;
	s3 =	ssub.s32 $0xC350, s22  }
0x5b: {  	s0 =	simm.s32 @!p2 $0xC260;
	s2 =	sand.u32 s2, s22;
	p2 =	slt.s32 s3, $0xF0  }
0x5c: {  	s0 =	ssub.s32 s0, s2;
	s3 =	simm.s32 @!p2 $0xF0  }
0x5d: {  	s0 =	sadd.s32 $0xFFFF3DA0, s0;
	s25 =	sshll.u32 s3, $0x7  }
0x5e: {  	s26 =	sshll.u32 s0, $0x2;
	s2 =	sand.u32 $0x3FFFFF80, s25  }
0x5f: {  	p2 =	sgt.s32 s0, $0xEF;
	s29 =	ssub.s32 $0x3C0, s26;
	_ =	swait.ge [sflag:s10], s2  }
0x60: {  	s2 =	ssub.s32 $0x0, s2;
	[sflag:s10] =	ssyncset.done $0x0;
	s0 =	sshrl.u32 s29, $0x2  }
0x61: {  	[sflag:s10] =	ssyncadd.s32 s2;
	s0 =	simm.s32 @p2 $0x0  }
0x62: {  	_ =	swait.ge [sflag:s11], s0  }
0x63: {  	s0 =	ssub.s32 $0x0, s0;
	[sflag:s11] =	ssyncset.done $0x0  }
0x64: {  	[sflag:s11] =	ssyncadd.s32 s0  }
0x65: {  	v1 =	vld [tilespmem:$0xF208];
	_ =	sdelay $0x4  }
0x66: {  	(v2sf) =	vpush v1, $0x0  }
0x67: {  	(v2sf) =	vpush v1, $0x1  }
0x68: {  	(v2sf) =	vpush v1, $0x2;
	_ =	sdelay $0x3  }
0x69: {  	s0 =	sadd.s32 $0xF0, s22  }
0x6a: {  	s2 =	ssub.s32 $0x186A0, s22;
	p2 =	slt.s32 s8, s0  }
0x6b: {  	s0 =	smov.u32 @p2 s8;
	p2 =	sgt.s32 s2, $0x0  }
0x6c: {  	s26 =	ssub.s32 s0, s22;
	s2 =	simm.s32 @!p2 $0x0  }
0x6d: {  	p2 =	slt.s32 s2, s26  }
0x6e: {  	s26 =	smov.u32 @p2 s2  }
0x6f: {  	s25 =	simm.s32 $0x1;
	p2 =	slt.s32 s26, $0x1  }
.Ltmp4:
0x70: {  	s25 =	simm.s32 @!p1 $0x0;
	(pc) =	sbr.rel @p2 .LBB2_8-.Ltmp4, $4  }
0x71: {  	s31 =	smul.u32 $0x3C0, s25  }
0x72: {  	s28 =	spop (v2sf)  }
0x73: {  	s0 =	sshrl.u32 s31, $0x2;
	s30 =	spop (v2sf)  }
0x74: {  	s23 =	sadd.s32 $0x10518, s0;
	s22 =	spop (v2sf)  }
0x75: {  	s0 =	smin.u32 s26, $0x10  }
0x76: {  	v1 =	vmov s0  }
0x77: {  	p3 =	sgt.s32 s26, $0x10;
	vm1 =	vgt.u32 v1, v0  }
.Ltmp5:
0x78: {  	_ = 	snop;
	(pc) =	sbr.rel @!p3 .LBB2_7-.Ltmp5, $2  }
0x79: {  	_ =	sdelay $0x2  }
0x7a: {  	s4 =	simm.s32 $0x10;
	s24 =	sadd.s32 $0xFFFFFFF0, s26;
	s0 =	smov.u32 s23;
	vm0 =	vmmov vm1  }
.LBB2_6:
0x7b: {  	s2 =	smin.u32 s24, $0x10;
	s4 =	sadd.s32 $0x10, s4;
	v1 =	vld.msk [tilespmem:s0+$0x0 ss:$0x1], vm1  }
0x7c: {  	v2 =	vmov s2;
	p3 =	slt.s32 s4, s26  }
0x7d: {  	vm1 =	vgt.u32 v2, v0  }
.Ltmp6:
0x7e: {  	(pc) =	sbr.rel @p3 .LBB2_6-.Ltmp6, $3  }
0x7f: {  	_ =	sdelay $0x1  }
0x80: {  	v1 =	vshll.u32 v1, $0x4  }
0x81: {  	s24 =	sadd.s32 $0xFFFFFFF0, s24;
	[tilespmem:s0+$0x0] =	vst.msk vm0, v1;
	s0 =	sadd.s32 $0x10, s0;
	vm0 =	vmmov vm1  }
.LBB2_7:
0x82: {  	_ =	sdelay $0x4  }
0x83: {  	v1 =	vld.msk [tilespmem:s0+$0x0 ss:$0x1], vm1;
	_ =	sdelay $0x4  }
0x84: {  	v1 =	vshll.u32 v1, $0x4  }
0x85: {  	[tilespmem:s0+$0x0] =	vst.msk vm0, v1  }
.LBB2_8:
0x86: {  	s0 =	sand.u32 $0x1, s21  }
0x87: {  	s0 =	smul.u32 $0xF0, s0  }
0x88: {  	p3 =	sne.s32 s30, $0xFFFFFFFF  }
0x89: {  	v1 =	vld.msk @!p3 [tilespmem:s0+$0x10518], $0x1;
	_ =	sdelay $0x4  }
0x8a: {  	(v2sf) =	vpush @!p3 v1, $0x0;
	_ =	sdelay $0xc  }
.Ltmp7:
0x8b: {  	_ = 	snop;
	(pc) =	sbr.rel @p2 .LBB2_19-.Ltmp7, $4  }
0x8c: {  	_ = 	snop  }
0x8d: {  	s29 =	spop @!p3 (v2sf)  }
0x8e: {  	s22 =	simm.s32 @!p3 $0x0;
	s24 =	smov.u32 s29  }
0x8f: {  	[sflag:s18] =	ssyncpa.u1 $0x0;
	s29 =	smov.u32 @p3 s28;
	s24 =	smov.u32 @p3 s30  }
0x90: {  	v1 =	vld.msk [tilespmem:s23+$0x0], $0x1;
	_ =	sdelay $0x4  }
0x91: {  	(v2sf) =	vpush v1, $0x0;
	_ =	sdelay $0xe  }
0x92: {  	s2 =	smul.u32 $0x1E000, s25;
	s0 =	spop (v2sf)  }
0x93: {  	s26 =	ssub.s32 $0x0, s26;
	p2 =	seq.s32 s29, s0  }
0x94: {  	s30 =	sadd.s32 $0x1, s26;
	s2 =	sshrl.u32 s2, $0x2;
	p3 =	sgt.s32 @!p2 s29, $0x0  }
0x95: {  	s25 =	sor.u32 $0x10738, s2;
	s2 =	smov.u32 s29;
	p3 =	por !p3, p2  }
0x96: {  	s2 =	simm.s32 @p3 $0x0;
	p3 =	seq.s32 s30, $0x0  }
.Ltmp8:
0x97: {  	_ = 	snop;
	(pc) =	sbr.rel @p3 .LBB2_11-.Ltmp8, $4  }
0x98: {  	_ = 	snop  }
0x99: {  	s28 =	simm.s32 $0x0;
	s31 =	sadd.s32 $0x1, s23;
	s2 =	smin.u32 @!p2 s2, $0x30D3F0  }
0x9a: {  	s4 =	simm.s32 @!p2 $0x1;
	s5 =	simm.s32 @!p2 $0x7988;
	s3 =	sand.u32 @!p2 $0x3FFFF8, s2  }
0x9b: {  	s4 =	smov.u32 @p2 s28;
	s2 =	sand.u32 @!p2 $0x7, s2;
	s3 =	sadd.s32 @!p2 s1, s3  }
.LBB2_10:
0x9c: {  	s9 =	smov.u32 s4  }
0x9d: {  	[tilespmem:s5], [sflag:$0x2] =	stream.linear.gather @!p2 [hbm4b:s3+s2], $0x80, $0x38;
	[tilespmem:$0x1F6F8] =	vst v63  }
0x9e: {  	s30 =	sadd.s32 $0x1, s30;
	s2 =	smov.u32 s0;
	v1 =	vld.msk [tilespmem:s31+$0x0], $0x1  }
0x9f: {  	p3 =	seq.s32 s30, $0x0;
	_ =	sdelay $0x3  }
0xa0: {  	(v2sf) =	vpush v1, $0x0;
	_ =	sdelay $0xe  }
0xa1: {  	s0 =	spop (v2sf)  }
0xa2: {  	p2 =	seq.s32 s2, s0  }
0xa3: {  	p4 =	sgt.s32 @!p2 s2, $0x0;
	s3 =	sshll.u32 @!p2 s4, $0x9;
	s4 =	sadd.s32 @!p2 $0x1, s4  }
.Ltmp9:
0xa4: {  	p4 =	por !p4, p2;
	s3 =	sshra.s32 @!p2 s3, $0x2;
	(pc) =	sbr.rel @!p3 .LBB2_10-.Ltmp9, $4  }
0xa5: {  	s4 =	smov.u32 @p2 s9;
	s2 =	simm.s32 @p4 $0x0;
	s5 =	sadd.s32 @!p2 $0x7988, s3  }
0xa6: {  	s2 =	smin.u32 @!p2 s2, $0x30D3F0  }
0xa7: {  	s3 =	sand.u32 @!p2 $0x3FFFF8, s2;
	s2 =	sand.u32 @!p2 $0x7, s2  }
0xa8: {  	s31 =	sadd.s32 $0x1, s31;
	s3 =	sadd.s32 @!p2 s1, s3  }
.LBB2_11:
0xa9: {  	[tilespmem:s5], [sflag:$0x2] =	stream.linear.gather @!p2 [hbm4b:s3+s2], $0x80, $0x38;
	[tilespmem:$0x1F6F8] =	vst v63  }
.Ltmp10:
0xaa: {  	s0 =	sshll.u32 s4, $0x7;
	(pc) =	sbr.rel .LBB2_12-.Ltmp10, $4  }
0xab: {  	s30 =	simm.s32 $0x2;
	s0 =	sand.u32 $0x3FFFFF80, s0  }
0xac: {  	_ =	swait.ge [sflag:s30], s0  }
0xad: {  	s0 =	ssub.s32 $0x0, s0;
	[sflag:s30] =	ssyncset.done $0x0  }
0xae: {  	s31 =	simm.s32 $0x0;
	[sflag:s30] =	ssyncadd.s32 s0  }
.LBB2_13:
0xaf: {  	v1 =	vld [tilespmem:s25+$0xFFFFFFC0];
	_ =	sdelay $0x3  }
0xb0: {  	s0 =	sshra.s32 s0, $0x2  }
0xb1: {  	[tilespmem:s0+$0x108] =	vst.add.f32.msk $0xffff, v1  }
0xb2: {  	v1 =	vld [tilespmem:s25+$0xFFFFFFD0];
	_ =	sdelay $0x4  }
0xb3: {  	[tilespmem:s0+$0x118] =	vst.add.f32.msk $0xffff, v1  }
0xb4: {  	v1 =	vld [tilespmem:s25+$0xFFFFFFE0];
	_ =	sdelay $0x4  }
0xb5: {  	[tilespmem:s0+$0x128] =	vst.add.f32.msk $0xffff, v1  }
0xb6: {  	v1 =	vld [tilespmem:s25+$0xFFFFFFF0];
	_ =	sdelay $0x4  }
0xb7: {  	[tilespmem:s0+$0x138] =	vst.add.f32.msk $0xffff, v1  }
0xb8: {  	v1 =	vld [tilespmem:s25+$0x0];
	_ =	sdelay $0x4  }
0xb9: {  	[tilespmem:s0+$0x148] =	vst.add.f32.msk $0xffff, v1  }
0xba: {  	v1 =	vld [tilespmem:s25+$0x10];
	_ =	sdelay $0x4  }
0xbb: {  	[tilespmem:s0+$0x158] =	vst.add.f32.msk $0xffff, v1  }
0xbc: {  	v1 =	vld [tilespmem:s25+$0x20];
	_ =	sdelay $0x4  }
0xbd: {  	[tilespmem:s0+$0x168] =	vst.add.f32.msk $0xffff, v1  }
0xbe: {  	v1 =	vld [tilespmem:s25+$0x30];
	_ =	sdelay $0x4  }
0xbf: {  	[tilespmem:s0+$0x178] =	vst.add.f32.msk $0xffff, v1  }
.LBB2_17:
0xc0: {  	s26 =	sadd.s32 $0x1, s26  }
0xc1: {  	p2 =	seq.s32 s26, $0x0  }
.Ltmp11:
0xc2: {  	_ = 	snop;
	(pc) =	sbr.rel @p2 .LBB2_18-.Ltmp11, $2  }
0xc3: {  	_ =	sdelay $0x2  }
0xc4: {  	s23 =	sadd.s32 $0x1, s23;
	s25 =	sadd.s32 $0x80, s25;
	s29 =	smov.u32 s30  }
.LBB2_12:
0xc5: {  	v1 =	vld.msk [tilespmem:s23+$0x0], $0x1;
	_ =	sdelay $0x4  }
0xc6: {  	(v2sf) =	vpush v1, $0x0;
	_ =	sdelay $0xe  }
0xc7: {  	s30 =	spop (v2sf)  }
0xc8: {  	p2 =	sne.s32 s29, s30  }
.Ltmp12:
0xc9: {  	_ = 	snop;
	(pc) =	sbr.rel @!p2 .LBB2_13-.Ltmp12, $2  }
0xca: {  	_ =	sdelay $0x2  }
0xcb: {  	s0 =	sshll.u32 s22, $0x9  }
0xcc: {  	p2 =	seq.s32 s29, s24  }
.Ltmp13:
0xcd: {  	_ = 	snop;
	(pc) =	sbr.rel @!p2 .LBB2_15-.Ltmp13, $1  }
0xce: {  	_ =	sdelay $0x3  }
0xcf: {  	s0 =	sshra.s32 s0, $0x2  }
.Ltmp14:
0xd0: {  	s0 =	sadd.s32 $0x108, s0;
	(pc) =	sbr.rel .LBB2_16-.Ltmp14, $4  }
0xd1: {  	[spmem:s16] =	stream.linear.scatter [tilespmem:s0], [sflag:$0x1], $0x80, $0x38;
	[tilespmem:$0x1F6F8] =	vst v63  }
0xd2: {  	_ =	swait.ge [sflag:s12], $0x80  }
0xd3: {  	[sflag:s12] =	ssyncset.done $0x0  }
0xd4: {  	[sflag:s12] =	ssyncadd.s32 $0xFFFFFF80  }
.LBB2_15:
0xd5: {  	s2 =	sshll.u32 s28, $0x9  }
0xd6: {  	s2 =	sshra.s32 s2, $0x2  }
0xd7: {  	v1 =	vld [tilespmem:s2+$0x7988];
	_ =	sdelay $0x3  }
0xd8: {  	s0 =	sshra.s32 s0, $0x2  }
0xd9: {  	[tilespmem:s0+$0x108] =	vst.add.f32.msk $0xffff, v1  }
0xda: {  	v1 =	vld [tilespmem:s2+$0x7998];
	_ =	sdelay $0x4  }
0xdb: {  	[tilespmem:s0+$0x118] =	vst.add.f32.msk $0xffff, v1  }
0xdc: {  	v1 =	vld [tilespmem:s2+$0x79A8];
	_ =	sdelay $0x4  }
0xdd: {  	[tilespmem:s0+$0x128] =	vst.add.f32.msk $0xffff, v1  }
0xde: {  	v1 =	vld [tilespmem:s2+$0x79B8];
	_ =	sdelay $0x4  }
0xdf: {  	[tilespmem:s0+$0x138] =	vst.add.f32.msk $0xffff, v1  }
0xe0: {  	v1 =	vld [tilespmem:s2+$0x79C8];
	_ =	sdelay $0x4  }
0xe1: {  	[tilespmem:s0+$0x148] =	vst.add.f32.msk $0xffff, v1  }
0xe2: {  	v1 =	vld [tilespmem:s2+$0x79D8];
	_ =	sdelay $0x4  }
0xe3: {  	[tilespmem:s0+$0x158] =	vst.add.f32.msk $0xffff, v1  }
0xe4: {  	v1 =	vld [tilespmem:s2+$0x79E8];
	_ =	sdelay $0x4  }
0xe5: {  	[tilespmem:s0+$0x168] =	vst.add.f32.msk $0xffff, v1  }
0xe6: {  	v1 =	vld [tilespmem:s2+$0x79F8];
	_ =	sdelay $0x2  }
0xe7: {  	p2 =	sgt.u32 s29, $0x30D3F0  }
0xe8: {  	s2 =	sand.u32 @!p2 $0x3FFFF8, s29  }
0xe9: {  	s3 =	sadd.s32 $0x108, s0;
	[tilespmem:s0+$0x178] =	vst.add.f32.msk $0xffff, v1;
	s0 =	sadd.s32 @!p2 s1, s2;
	s2 =	sand.u32 @!p2 $0x7, s29  }
0xea: {  	[hbm4b:s0+s2] =	stream.linear.scatter @!p2 [tilespmem:s3], [sflag:$0xC], $0x80, $0x38;
	[tilespmem:$0x1F6F8] =	vst v63  }
0xeb: {  	s0 =	simm.s32 $0x0  }
0xec: {  	s0 =	simm.s32 @!p2 $0x200  }
0xed: {  	s31 =	sadd.s32 s0, s31  }
.LBB2_16:
0xee: {  	s0 =	sadd.s32 $0x1, s22  }
0xef: {  	s2 =	smulhi.u32 $0x88888889, s0;
	_ =	sdelay $0x1  }
0xf0: {  	v1 =	vld [tilespmem:s25+$0xFFFFFFC0];
	s2 =	sshrl.u32 s2, $0x7  }
0xf1: {  	s2 =	smul.u32 $0xF0, s2;
	_ =	sdelay $0x1  }
0xf2: {  	s22 =	ssub.s32 s0, s2  }
0xf3: {  	s0 =	sshll.u32 s22, $0x7  }
0xf4: {  	[tilespmem:s0+$0x108] =	vst v1  }
0xf5: {  	v1 =	vld [tilespmem:s25+$0xFFFFFFD0];
	_ =	sdelay $0x4  }
0xf6: {  	[tilespmem:s0+$0x118] =	vst v1  }
0xf7: {  	v1 =	vld [tilespmem:s25+$0xFFFFFFE0];
	_ =	sdelay $0x4  }
0xf8: {  	[tilespmem:s0+$0x128] =	vst v1  }
0xf9: {  	v1 =	vld [tilespmem:s25+$0xFFFFFFF0];
	_ =	sdelay $0x4  }
0xfa: {  	[tilespmem:s0+$0x138] =	vst v1  }
0xfb: {  	v1 =	vld [tilespmem:s25+$0x0];
	_ =	sdelay $0x4  }
0xfc: {  	[tilespmem:s0+$0x148] =	vst v1  }
0xfd: {  	v1 =	vld [tilespmem:s25+$0x10];
	_ =	sdelay $0x4  }
0xfe: {  	[tilespmem:s0+$0x158] =	vst v1  }
0xff: {  	v1 =	vld [tilespmem:s25+$0x20];
	_ =	sdelay $0x4  }
0x100: {  	[tilespmem:s0+$0x168] =	vst v1  }
0x101: {  	v1 =	vld [tilespmem:s25+$0x30]  }
.Ltmp15:
0x102: {  	_ = 	snop;
	(pc) =	sbr.rel .LBB2_17-.Ltmp15, $2  }
0x103: {  	_ =	sdelay $0x2  }
0x104: {  	s28 =	sadd.s32 $0x1, s28;
	[tilespmem:s0+$0x178] =	vst v1  }
.LBB2_19:
.Ltmp16:
0x105: {  	(pc) =	sbr.rel .LBB2_20-.Ltmp16, $4  }
0x106: {  	_ = 	snop  }
0x107: {  	s0 =	simm.s32 $0x2  }
0x108: {  	_ =	swait.ge [sflag:s0], $0x0  }
0x109: {  	s30 =	smov.u32 s29;
	[sflag:s0] =	ssyncset.done $0x0;
	s0 =	simm.s32 $0x0  }
.LBB2_22:
0x10a: {  	_ =	sfence.sel $0x180000  }
0x10b: {  	s0 =	simm.s32 $0x9;
	[bflag:$0x0] =	sbarrier.arrive $0xFFFF  }
0x10c: {  	s24 =	simm.s32 $0xA;
	[sflag:s0] =	ssyncpa.u1 $0x1  }
0x10d: {  	s25 =	simm.s32 $0xB;
	[sflag:s24] =	ssyncpa.u1 $0x1  }
0x10e: {  	s26 =	simm.s32 $0x2;
	[sflag:s25] =	ssyncpa.u1 $0x1  }
0x10f: {  	[sflag:s26] =	ssyncpa.u1 $0x1  }
0x110: {  	v0 =	vld [tilespmem:$0xF208];
	_ =	sdelay $0x4  }
0x111: {  	(v2sf) =	vpush v0, $0x0  }
0x112: {  	(v2sf) =	vpush v0, $0x1;
	_ =	sdelay $0x1  }
0x113: {  	(v2sf) =	vpush v0, $0x2;
	_ =	sdelay $0xb  }
0x114: {  	s0 =	spop (v2sf)  }
0x115: {  	s2 =	spop (v2sf)  }
0x116: {  	s3 =	smov.u32 s0;
	p1 =	sne.s32 s0, s2  }
0x117: {  	s4 =	spop (v2sf);
	s3 =	simm.s32 @!p1 $0xFFFFFFFF  }
0x118: {  	v2 =	vimm.s32 $0x1;
	v3 =	vlaneseq.u32;
	p1 =	seq.s32 s4, $0xFFFFFFFF;
	v1 =	vmov s3  }
0x119: {  	s16 =	stileid.u32;
	v0 =	vperm.xlane v0, v2;
	p2 =	sne.s32 @!p1 s0, s2;
	v1 =	vperm.xlane v1, v3  }
0x11a: {  	vm0 =	vcmask $0x3F04;
	s6 =	simm.s32 $0xF208;
	s0 =	simm.s32 @!p1 $0x1;
	p2 =	por !p2, p1  }
0x11b: {  	s3 =	sshll.u32 s16, $0x1;
	s2 =	sshll.u32 @!p1 s4, $0x9;
	s0 =	simm.s32 @p2 $0x0;
	v0 =	vsel vm0, v1, v0  }
0x11c: {  	s5 =	sor.u32 $0x1000, s3;
	s2 =	sshra.s32 @!p1 s2, $0x2;
	s0 =	sor.u32 @!p1 s0, s3;
	[tilespmem:$0xF208] =	vst v0  }
0x11d: {  	[spmem:s5] =	stream.linear.scatter [tilespmem:s6], [sflag:$0x1], $0x2, $0x38;
	[tilespmem:$0x1F6F8] =	vst v63  }
0x11e: {  	s2 =	sadd.s32 @!p1 $0x108, s2;
	s0 =	sshll.u32 @!p1 s0, $0x7  }
0x11f: {  	[spmem:s0] =	stream.linear.scatter @!p1 [tilespmem:s2], [sflag:$0x1], $0x80, $0x38;
	[tilespmem:$0x1F6F8] =	vst v63  }
0x120: {  	s0 =	simm.s32 @!p1 $0x82  }
0x121: {  	s28 =	simm.s32 $0x1;
	s0 =	simm.s32 @p1 $0x2  }
0x122: {  	_ =	swait.ge [sflag:s28], s0  }
0x123: {  	s0 =	ssub.s32 $0x0, s0;
	[sflag:s28] =	ssyncset.done $0x0  }
0x124: {  	[sflag:s28] =	ssyncadd.s32 s0  }
.Ltmp17:
0x125: {  	_ =	sfence.stream.spmem;
	(pc) =	sbr.rel @p0 .LBB2_39-.Ltmp17, $4  }
0x126: {  	s29 =	simm.s32 $0x3;
	[bflag:$0x0] =	sbarrier.arrive $0xFFFF  }
0x127: {  	s30 =	simm.s32 $0x4;
	[sflag:s29] =	ssyncpa.u1 $0x1  }
0x128: {  	s31 =	simm.s32 $0x3C;
	[sflag:s30] =	ssyncpa.u1 $0x1  }
0x129: {  	s15 =	rddreg [dreg:$0x5];
	[sflag:s31] =	ssyncpa.u1 $0x1  }
0x12a: {  	_ =	sfence.stream.spmem;
	s0 =	simm.s32 $0x5  }
0x12b: {  	s2 =	simm.s32 $0x1000;
	s3 =	simm.s32 $0xF218;
	[sflag:s0] =	ssyncpa.u1 $0x0  }
0x12c: {  	[tilespmem:s3], [sflag:$0x5] =	stream.linear.gather [spmem:s2], $0x20, $0x38;
	[tilespmem:$0x1F6F8] =	vst v63  }
0x12d: {  	s26 =	simm.s32 $0x0;
	s28 =	simm.s32 $0xF238  }
0x12e: {  	[tilespmem:s28], [sflag:$0x5] =	stream.linear.gather [spmem:s26], $0x1000, $0x38;
	[tilespmem:$0x1F6F8] =	vst v63  }
0x12f: {  	_ =	swait.ge [sflag:s0], $0x1020  }
0x130: {  	[sflag:s0] =	ssyncset.done $0x0  }
0x131: {  	s29 =	simm.s32 $0x0;
	[sflag:s0] =	ssyncadd.s32 $0xFFFFEFE0  }
0x132: {  	v0 =	vld.msk [tilespmem:s29+$0xF218], $0x1;
	_ =	sdelay $0x1  }
0x133: {  	s30 =	simm.s32 $0x1  }
0x134: {  	v1 =	vld.msk [tilespmem:s30+$0xF218], $0x1;
	_ =	sdelay $0x1  }
0x135: {  	(v2sf) =	vpush v0, $0x0;
	_ =	sdelay $0x2  }
0x136: {  	(v2sf) =	vpush v1, $0x0;
	_ =	sdelay $0x2  }
0x137: {  	s31 =	simm.s32 $0x2  }
0x138: {  	v0 =	vld.msk [tilespmem:s31+$0xF218], $0x1;
	_ =	sdelay $0x2  }
0x139: {  	s4 =	simm.s32 $0xFFFFFFFF;
	s5 =	simm.s32 $0xFFFFFFFF;
	s0 =	simm.s32 $0xC  }
.LBB2_24:
0x13a: {  	s2 =	smov.u32 s5;
	s3 =	smov.u32 s4  }
0x13b: {  	s4 =	sshra.s32 s0, $0x2;
	p1 =	sne.s32 s0, $0x7C;
	s0 =	sadd.s32 $0x4, s0;
	(v2sf) =	vpush v0, $0x0  }
0x13c: {  	v0 =	vld.msk [tilespmem:s4+$0xF218], $0x1  }
.Ltmp18:
0x13d: {  	(pc) =	sbr.rel @p1 .LBB2_24-.Ltmp18, $4  }
0x13e: {  	s5 =	spop (v2sf)  }
0x13f: {  	p2 =	sne.s32 s3, $0xFFFFFFFF;
	s4 =	smov.u32 s5  }
0x140: {  	p3 =	seq.s32 s5, $0xFFFFFFFF;
	s4 =	smov.u32 @p2 s3  }
0x141: {  	s5 =	smov.u32 @p3 s2;
	s4 =	smov.u32 @p3 s3  }
0x142: {  	(v2sf) =	vpush v0, $0x0;
	_ =	sdelay $0x8  }
0x143: {  	s0 =	spop (v2sf)  }
0x144: {  	p1 =	sne.s32 s4, $0xFFFFFFFF;
	s2 =	smov.u32 s0  }
0x145: {  	s9 =	simm.s32 $0x6;
	p2 =	seq.s32 s0, $0xFFFFFFFF;
	s2 =	smov.u32 @p1 s4  }
0x146: {  	s6 =	simm.s32 $0x0;
	s2 =	smov.u32 @p2 s4;
	s3 =	spop (v2sf)  }
0x147: {  	s0 =	smov.u32 @p2 s5;
	p1 =	sne.s32 s2, $0xFFFFFFFF;
	s4 =	smov.u32 s3  }
.Ltmp19:
0x148: {  	p2 =	seq.s32 s3, $0xFFFFFFFF;
	s4 =	smov.u32 @p1 s2;
	(pc) =	sbr.rel .LBB2_26-.Ltmp19, $4  }
0x149: {  	s10 =	simm.s32 $0xF188;
	s4 =	smov.u32 @p2 s2;
	s7 =	spop (v2sf)  }
0x14a: {  	s11 =	simm.s32 $0x0;
	p1 =	sne.s32 s4, $0xFFFFFFFF;
	s8 =	smov.u32 s7  }
0x14b: {  	s3 =	smov.u32 @p2 s0;
	p2 =	seq.s32 s7, $0xFFFFFFFF;
	s8 =	smov.u32 @p1 s4  }
0x14c: {  	[sflag:s9] =	ssyncpa.u1 $0x0;
	s7 =	smov.u32 @p2 s3;
	s8 =	smov.u32 @p2 s4  }
.LBB2_32:
0x14d: {  	p1 =	sgt.u32 s12, $0x30D3F0  }
0x14e: {  	p2 =	seq.s32 @!p1 s12, s8  }
0x14f: {  	p1 =	por p1, p2  }
0x150: {  	p2 =	sne.s32 @!p1 s12, s7  }
0x151: {  	p1 =	por p1, !p2  }
0x152: {  	s0 =	sshll.u32 @p1 s11, $0x9  }
0x153: {  	s0 =	sand.u32 @!p1 $0x3FFFF8, s12  }
0x154: {  	s2 =	sand.u32 @!p1 $0x7, s12;
	s0 =	sadd.s32 @!p1 s1, s0  }
0x155: {  	[tilespmem:s10], [sflag:$0x6] =	stream.linear.gather @!p1 [hbm4b:s0+s2], $0x80, $0x38;
	[tilespmem:$0x1F6F8] =	vst v63  }
0x156: {  	_ =	swait.ge @!p1 [sflag:s9], $0x80  }
0x157: {  	[sflag:s9] =	ssyncset.done @!p1 $0x0  }
0x158: {  	[sflag:s9] =	ssyncadd.s32 @!p1 $0xFFFFFF80  }
0x159: {  	v1 =	vld @!p1 [tilespmem:$0xF188];
	_ =	sdelay $0x2  }
0x15a: {  	s0 =	sshll.u32 @!p1 s11, $0x9  }
0x15b: {  	s2 =	sshrl.u32 @!p1 s0, $0x2  }
0x15c: {  	[tilespmem:s2+$0xF238] =	vst.add.f32.msk @!p1 $0xffff, v1  }
0x15d: {  	v1 =	vld @!p1 [tilespmem:$0xF198];
	_ =	sdelay $0x4  }
0x15e: {  	[tilespmem:s2+$0xF248] =	vst.add.f32.msk @!p1 $0xffff, v1  }
0x15f: {  	v1 =	vld @!p1 [tilespmem:$0xF1A8];
	_ =	sdelay $0x4  }
0x160: {  	[tilespmem:s2+$0xF258] =	vst.add.f32.msk @!p1 $0xffff, v1  }
0x161: {  	v1 =	vld @!p1 [tilespmem:$0xF1B8];
	_ =	sdelay $0x4  }
0x162: {  	[tilespmem:s2+$0xF268] =	vst.add.f32.msk @!p1 $0xffff, v1  }
0x163: {  	v1 =	vld @!p1 [tilespmem:$0xF1C8];
	_ =	sdelay $0x4  }
0x164: {  	[tilespmem:s2+$0xF278] =	vst.add.f32.msk @!p1 $0xffff, v1  }
0x165: {  	v1 =	vld @!p1 [tilespmem:$0xF1D8];
	_ =	sdelay $0x4  }
0x166: {  	[tilespmem:s2+$0xF288] =	vst.add.f32.msk @!p1 $0xffff, v1  }
0x167: {  	v1 =	vld @!p1 [tilespmem:$0xF1E8];
	_ =	sdelay $0x4  }
0x168: {  	[tilespmem:s2+$0xF298] =	vst.add.f32.msk @!p1 $0xffff, v1  }
0x169: {  	v1 =	vld @!p1 [tilespmem:$0xF1F8];
	_ =	sdelay $0x4  }
0x16a: {  	[tilespmem:s2+$0xF2A8] =	vst.add.f32.msk @!p1 $0xffff, v1  }
0x16b: {  	s0 =	sshrl.u32 s0, $0x2;
	[tilespmem:s6+$0xF218] =	vst.msk $0x1, v0  }
0x16c: {  	v0 =	vld [tilespmem:s0+$0xF238];
	_ =	sdelay $0x2  }
0x16d: {  	s31 =	sshll.u32 s6, $0x9  }
0x16e: {  	s2 =	sshra.s32 s31, $0x2  }
0x16f: {  	[tilespmem:s2+$0xF238] =	vst v0  }
0x170: {  	v0 =	vld [tilespmem:s0+$0xF248];
	_ =	sdelay $0x4  }
0x171: {  	[tilespmem:s2+$0xF248] =	vst v0  }
0x172: {  	v0 =	vld [tilespmem:s0+$0xF258];
	_ =	sdelay $0x4  }
0x173: {  	[tilespmem:s2+$0xF258] =	vst v0  }
0x174: {  	v0 =	vld [tilespmem:s0+$0xF268];
	_ =	sdelay $0x4  }
0x175: {  	[tilespmem:s2+$0xF268] =	vst v0  }
0x176: {  	v0 =	vld [tilespmem:s0+$0xF278];
	_ =	sdelay $0x4  }
0x177: {  	[tilespmem:s2+$0xF278] =	vst v0  }
0x178: {  	v0 =	vld [tilespmem:s0+$0xF288];
	_ =	sdelay $0x4  }
0x179: {  	[tilespmem:s2+$0xF288] =	vst v0  }
0x17a: {  	v0 =	vld [tilespmem:s0+$0xF298];
	_ =	sdelay $0x4  }
0x17b: {  	[tilespmem:s2+$0xF298] =	vst v0  }
0x17c: {  	v0 =	vld [tilespmem:s0+$0xF2A8];
	_ =	sdelay $0x4  }
0x17d: {  	s6 =	sadd.s32 $0x1, s6;
	[tilespmem:s2+$0xF2A8] =	vst v0  }
.LBB2_33:
0x17e: {  	s11 =	sadd.s32 $0x1, s11  }
0x17f: {  	p1 =	sne.s32 s11, $0x20  }
.Ltmp20:
0x180: {  	_ = 	snop;
	(pc) =	sbr.rel @!p1 .LBB2_34-.Ltmp20, $1  }
0x181: {  	_ =	sdelay $0x3  }
.LBB2_26:
0x182: {  	v0 =	vld.msk [tilespmem:s11+$0xF218], $0x1;
	_ =	sdelay $0x4  }
0x183: {  	(v2sf) =	vpush v0, $0x0;
	_ =	sdelay $0xe  }
0x184: {  	s12 =	spop (v2sf)  }
0x185: {  	p1 =	seq.s32 s12, $0xFFFFFFFF  }
.Ltmp21:
0x186: {  	_ = 	snop;
	(pc) =	sbr.rel @p1 .LBB2_33-.Ltmp21, $1  }
0x187: {  	_ =	sdelay $0x3  }
0x188: {  	p1 =	slt.s32 s6, $0x1  }
.Ltmp22:
0x189: {  	_ = 	snop;
	(pc) =	sbr.rel @p1 .LBB2_32-.Ltmp22, $1  }
0x18a: {  	_ =	sdelay $0x3  }
0x18b: {  	s13 =	simm.s32 $0xF218;
	p1 =	por $0x0, $0x0  }
0x18c: {  	v1 =	vld.msk @!p1 [tilespmem:s13+$0x0], $0x1;
	_ =	sdelay $0x4  }
0x18d: {  	(v2sf) =	vpush @!p1 v1, $0x0;
	_ =	sdelay $0xd  }
0x18e: {  	p3 =	sne.s32 s6, $0x1  }
.Ltmp23:
0x18f: {  	s0 =	spop @!p1 (v2sf);
	(pc) =	sbr.rel @!p3 .LBB2_30-.Ltmp23, $4  }
0x190: {  	p2 =	seq.s32 @!p1 s12, s0  }
0x191: {  	s14 =	simm.s32 $0x0;
	p2 =	por !p2, p1  }
0x192: {  	s2 =	simm.s32 $0xFFFFFFFF;
	s14 =	simm.s32 @p2 $0xFFFFFFFF  }
0x193: {  	s0 =	simm.s32 $0x1;
	s14 =	smov.u32 @p1 s2  }
.LBB2_29:
0x194: {  	s2 =	smov.u32 s14;
	p1 =	sne.s32 s14, $0xFFFFFFFF  }
0x195: {  	s13 =	sadd.s32 $0x1, s13;
	s14 =	smov.u32 s0;
	s0 =	sadd.s32 $0x1, s0  }
0x196: {  	p2 =	sne.s32 s6, s0;
	v1 =	vld.msk @!p1 [tilespmem:s13+$0x0], $0x1;
	_ =	sdelay $0x4  }
0x197: {  	(v2sf) =	vpush @!p1 v1, $0x0;
	_ =	sdelay $0xe  }
.Ltmp24:
0x198: {  	s3 =	spop @!p1 (v2sf);
	(pc) =	sbr.rel @p2 .LBB2_29-.Ltmp24, $4  }
0x199: {  	p3 =	seq.s32 @!p1 s12, s3  }
0x19a: {  	p3 =	por !p3, p1  }
0x19b: {  	s14 =	simm.s32 @p3 $0xFFFFFFFF  }
0x19c: {  	s14 =	smov.u32 @p1 s2  }
.LBB2_30:
0x19d: {  	p1 =	seq.s32 s14, $0xFFFFFFFF  }
.Ltmp25:
0x19e: {  	_ = 	snop;
	(pc) =	sbr.rel @p1 .LBB2_32-.Ltmp25, $1  }
0x19f: {  	_ =	sdelay $0x3  }
0x1a0: {  	s0 =	sshll.u32 s11, $0x7  }
0x1a1: {  	s0 =	sand.u32 $0x3FFFFF80, s0  }
0x1a2: {  	v0 =	vld [tilespmem:s0+$0xF238];
	_ =	sdelay $0x2  }
0x1a3: {  	s2 =	sshll.u32 s14, $0x9  }
0x1a4: {  	s2 =	sshra.s32 s2, $0x2  }
0x1a5: {  	[tilespmem:s2+$0xF238] =	vst.add.f32.msk $0xffff, v0  }
0x1a6: {  	v0 =	vld [tilespmem:s0+$0xF248];
	_ =	sdelay $0x4  }
0x1a7: {  	[tilespmem:s2+$0xF248] =	vst.add.f32.msk $0xffff, v0  }
0x1a8: {  	v0 =	vld [tilespmem:s0+$0xF258];
	_ =	sdelay $0x4  }
0x1a9: {  	[tilespmem:s2+$0xF258] =	vst.add.f32.msk $0xffff, v0  }
0x1aa: {  	v0 =	vld [tilespmem:s0+$0xF268];
	_ =	sdelay $0x4  }
0x1ab: {  	[tilespmem:s2+$0xF268] =	vst.add.f32.msk $0xffff, v0  }
0x1ac: {  	v0 =	vld [tilespmem:s0+$0xF278];
	_ =	sdelay $0x4  }
0x1ad: {  	[tilespmem:s2+$0xF278] =	vst.add.f32.msk $0xffff, v0  }
0x1ae: {  	v0 =	vld [tilespmem:s0+$0xF288];
	_ =	sdelay $0x4  }
0x1af: {  	[tilespmem:s2+$0xF288] =	vst.add.f32.msk $0xffff, v0  }
0x1b0: {  	v0 =	vld [tilespmem:s0+$0xF298];
	_ =	sdelay $0x4  }
0x1b1: {  	[tilespmem:s2+$0xF298] =	vst.add.f32.msk $0xffff, v0  }
0x1b2: {  	v0 =	vld [tilespmem:s0+$0xF2A8]  }
.Ltmp26:
0x1b3: {  	_ = 	snop;
	(pc) =	sbr.rel .LBB2_33-.Ltmp26, $2  }
0x1b4: {  	_ =	sdelay $0x2  }
0x1b5: {  	[tilespmem:s2+$0xF2A8] =	vst.add.f32.msk $0xffff, v0  }
.LBB2_34:
0x1b6: {  	s0 =	simm.s32 $0x6;
	p1 =	seq.s32 s6, $0x0  }
0x1b7: {  	[sflag:s0] =	ssyncpa.u1 $0x1;
	v0 =	vimm.s32 @p1 $0xFFFFFFFF  }
0x1b8: {  	s9 =	sadd.s32 $0xFFFFFFFF, s6;
	[tilespmem:$0x10238] =	vst @p1 v0  }
0x1b9: {  	v0 =	vld.msk @!p1 [tilespmem:s9+$0xF218], $0x1;
	_ =	sdelay $0x1  }
0x1ba: {  	v1 =	vld.msk @!p1 [tilespmem:$0xF218], $0x1;
	_ =	sdelay $0x2  }
0x1bb: {  	p2 =	seq.s32 @!p1 s9, $0x0;
	v0 =	vbroadcast @!p1 v0, $0x0  }
0x1bc: {  	vm0 =	vmmov @!p1 $0x1;
	p2 =	por !p2, p1  }
0x1bd: {  	v1 =	vnsel @!p1 vm0, $0xFFFFFFFF, v1;
	vm0 =	vcmask @!p1 $0x308;
	v0 =	vpsel !p2, $0xFFFFFFFF, v0  }
0x1be: {  	p2 =	sne.s32 @!p1 s8, s7;
	v0 =	vsel @!p1 vm0, v1, v0  }
0x1bf: {  	s0 =	simm.s32 @!p1 $0xF238;
	s2 =	simm.s32 @!p1 $0x0;
	p3 =	por !p2, p1;
	[tilespmem:$0x10238] =	vst @!p1 v0  }
0x1c0: {  	[spmem:s2] =	stream.linear.scatter @!p1 [tilespmem:s0], [sflag:$0x1], $0x80, $0x38;
	[tilespmem:$0x1F6F8] =	vst v63  }
0x1c1: {  	s0 =	sshll.u32 @!p3 s9, $0x9  }
0x1c2: {  	s0 =	sshra.s32 @!p3 s0, $0x2  }
0x1c3: {  	s2 =	simm.s32 @!p3 $0x80;
	s0 =	sadd.s32 @!p3 $0xF238, s0  }
0x1c4: {  	[spmem:s2] =	stream.linear.scatter @!p3 [tilespmem:s0], [sflag:$0x1], $0x80, $0x38;
	[tilespmem:$0x1F6F8] =	vst v63  }
0x1c5: {  	s0 =	simm.s32 @!p3 $0x1  }
0x1c6: {  	_ =	swait.ge @!p3 [sflag:s0], $0x100  }
0x1c7: {  	p1 =	por p2, p1;
	[sflag:s0] =	ssyncset.done @!p3 $0x0  }
0x1c8: {  	[sflag:s0] =	ssyncadd.s32 @!p3 $0xFFFFFF00;
	s0 =	simm.s32 @!p1 $0x1  }
0x1c9: {  	_ =	swait.ge @!p1 [sflag:s0], $0x80  }
0x1ca: {  	s29 =	simm.s32 $0x10238;
	[sflag:s0] =	ssyncset.done @!p1 $0x0  }
0x1cb: {  	s30 =	simm.s32 $0x1000;
	s31 =	simm.s32 $0x1;
	[sflag:s0] =	ssyncadd.s32 @!p1 $0xFFFFFF80  }
0x1cc: {  	[spmem:s30] =	stream.linear.scatter [tilespmem:s29], [sflag:$0x1], $0x10, $0x38;
	[tilespmem:$0x1F6F8] =	vst v63  }
0x1cd: {  	_ =	swait.ge [sflag:s31], $0x10  }
0x1ce: {  	[sflag:s31] =	ssyncset.done $0x0  }
0x1cf: {  	p1 =	seq.s32 s15, $0x0;
	s8 =	rddreg [dreg:$0x2];
	[sflag:s31] =	ssyncadd.s32 $0xFFFFFFF0  }
0x1d0: {  	s2 =	sshll.u32 @p1 s8, $0xE;
	s7 =	rddreg [dreg:$0x3]  }
0x1d1: {  	s0 =	sadd.s32 @p1 $0x15C3C, s2;
	s2 =	sshll.u32 @p1 s7, $0x11  }
0x1d2: {  	_ =	sfence.stream.spmem;
	s0 =	sor.u32 @p1 s2, s0  }
0x1d3: {  	[sflag:s0] =	ssyncadd.remote.s32 @p1 $0x1;
	s0 =	simm.s32 @p1 $0x4  }
0x1d4: {  	s3 =	simm.s32 @!p1 $0x3C;
	s2 =	sand.u32 $0xFFFFFFFE, s8;
	_ =	swait.ge @p1 [sflag:s0], $0x22  }
0x1d5: {  	s4 =	simm.s32 @!p1 $0x0;
	s2 =	sadd.s32 @!p1 $0x4, s2;
	[sflag:s0] =	ssyncset.done @p1 $0x0  }
0x1d6: {  	s5 =	simm.s32 @!p1 $0x100;
	[sflag:s0] =	ssyncadd.s32 @p1 $0xFFFFFFDE;
	s0 =	sshll.u32 @!p1 s2, $0x1A  }
0x1d7: {  	s2 =	sshll.u32 @!p1 s2, $0xD;
	s0 =	sor.u32 @!p1 s0, s7;
	_ =	swait.eq @!p1 [sflag:s3], $0x1  }
0x1d8: {  	s2 =	sor.u32 @!p1 $0x1C04, s2;
	s3 =	simm.s32 @!p1 $0x1C03;
	s0 =	sor.u32 @!p1 $0x80004000, s0  }
0x1d9: {  	[spmem:s5], [sflag:s2] =	dma.general @!p1 [spmem:s4], [sflag:s3], length:$0x20, [dreg:$0x0], stride_count:$0x0, ici_dest:s0, dma_misc:DstOpCode:WRITE  }
0x1da: {  	p2 =	slt.s32 s9, $0x2;
	s4 =	simm.s32 @!p1 $0x200;
	s5 =	simm.s32 @!p1 $0x202  }
0x1db: {  	[spmem:s5], [sflag:s2] =	dma.general @!p1 [spmem:s4], [sflag:s3], length:$0x2, [dreg:$0x0], stride_count:$0x0, ici_dest:s0, dma_misc:DstOpCode:WRITE  }
.Ltmp27:
0x1dc: {  	s0 =	simm.s32 @!p1 $0x3;
	(pc) =	sbr.rel @p2 .LBB2_38-.Ltmp27, $4  }
0x1dd: {  	s2 =	sshll.u32 @!p1 s8, $0xE;
	_ =	swait.ge @!p1 [sflag:s0], $0x22  }
0x1de: {  	s3 =	sshll.u32 @!p1 s7, $0x11;
	s2 =	sadd.s32 @!p1 $0x11C3C, s2;
	[sflag:s0] =	ssyncset.done @!p1 $0x0  }
0x1df: {  	[sflag:s0] =	ssyncadd.s32 @!p1 $0xFFFFFFDE;
	s0 =	sor.u32 @!p1 s3, s2  }
0x1e0: {  	[sflag:s0] =	ssyncadd.remote.s32 @!p1 $0xFFFFFFFF;
	s0 =	simm.s32 $0x0  }
0x1e1: {  	s0 =	simm.s32 $0xF219  }
0x1e2: {  	v0 =	vld.msk [tilespmem:s0+$0x0], $0x1;
	_ =	sdelay $0x4  }
0x1e3: {  	(v2sf) =	vpush v0, $0x0;
	_ =	sdelay $0xb  }
0x1e4: {  	s31 =	sadd.s32 $0xFFFFFFFE, s6  }
0x1e5: {  	s0 =	sadd.s32 $0xFFFFFFFF, s31  }
0x1e6: {  	p2 =	sne.s32 s0, $0x0  }
.Ltmp28:
0x1e7: {  	s2 =	spop (v2sf);
	(pc) =	sbr.rel @!p2 .LBB2_37-.Ltmp28, $4  }
0x1e8: {  	s4 =	simm.s32 $0xF2B8;
	s7 =	simm.s32 $0x0;
	p1 =	sgt.u32 s2, $0x30D3F0  }
0x1e9: {  	s5 =	simm.s32 $0x0;
	s6 =	simm.s32 $0xF21A;
	s3 =	sand.u32 @!p1 $0x3FFFF8, s2  }
0x1ea: {  	s2 =	sand.u32 @!p1 $0x7, s2;
	s7 =	simm.s32 @!p1 $0x200;
	s3 =	sadd.s32 @!p1 s1, s3  }
0x1eb: {  	[hbm4b:s3+s2] =	stream.linear.scatter @!p1 [tilespmem:s4], [sflag:$0x5], $0x80, $0x38;
	[tilespmem:$0x1F6F8] =	vst v63  }
.LBB2_36:
0x1ec: {  	v0 =	vld.msk [tilespmem:s6+$0x0], $0x1;
	s0 =	sadd.s32 $0xFFFFFFFF, s0;
	s5 =	sadd.s32 s5, s7  }
0x1ed: {  	p1 =	sne.s32 s0, $0x0;
	_ =	sdelay $0x3  }
0x1ee: {  	(v2sf) =	vpush v0, $0x0;
	_ =	sdelay $0xe  }
.Ltmp29:
0x1ef: {  	s2 =	spop (v2sf);
	(pc) =	sbr.rel @p1 .LBB2_36-.Ltmp29, $4  }
0x1f0: {  	s7 =	simm.s32 $0x0;
	p2 =	sgt.u32 s2, $0x30D3F0  }
0x1f1: {  	s4 =	sadd.s32 $0x80, s4;
	s7 =	simm.s32 @!p2 $0x200;
	s3 =	sand.u32 @!p2 $0x3FFFF8, s2  }
0x1f2: {  	s6 =	sadd.s32 $0x1, s6;
	s2 =	sand.u32 @!p2 $0x7, s2;
	s3 =	sadd.s32 @!p2 s1, s3  }
0x1f3: {  	[hbm4b:s3+s2] =	stream.linear.scatter @!p2 [tilespmem:s4], [sflag:$0x5], $0x80, $0x38;
	[tilespmem:$0x1F6F8] =	vst v63  }
.LBB2_37:
0x1f4: {  	s0 =	sadd.s32 s5, s7  }
0x1f5: {  	s0 =	sshrl.u32 s0, $0x2  }
.LBB2_38:
0x1f6: {  	s2 =	simm.s32 $0x5  }
0x1f7: {  	_ =	swait.ge [sflag:s2], s0  }
0x1f8: {  	s31 =	ssub.s32 $0x0, s0;
	[sflag:s2] =	ssyncset.done $0x0  }
0x1f9: {  	[sflag:s2] =	ssyncadd.s32 s31  }
0x1fa: {  	[sflag:s2] =	ssyncpa.u1 $0x1  }
.LBB2_39:
0x1fb: {  	s0 =	sor.u32 s15, s16  }
0x1fc: {  	p1 =	sne.s32 s0, $0x0  }
.Ltmp30:
0x1fd: {  	_ = 	snop;
	(pc) =	sbr.rel @p1 .LBB2_54-.Ltmp30, $3  }
0x1fe: {  	_ =	sdelay $0x1  }
0x1ff: {  	[bflag:$0x0] =	sbarrier.arrive $0xFFFF  }
0x200: {  	_ =	sfence  }
0x201: {  	s0 =	simm.s32 $0x7  }
0x202: {  	s2 =	simm.s32 $0x1000;
	s3 =	simm.s32 $0xF218;
	[sflag:s0] =	ssyncpa.u1 $0x0  }
0x203: {  	[tilespmem:s3], [sflag:$0x7] =	stream.linear.gather [spmem:s2], $0x20, $0x38;
	[tilespmem:$0x1F6F8] =	vst v63  }
0x204: {  	s30 =	simm.s32 $0xF238;
	s2 =	simm.s32 $0x0  }
0x205: {  	[tilespmem:s30], [sflag:$0x7] =	stream.linear.gather [spmem:s2], $0x1000, $0x38;
	[tilespmem:$0x1F6F8] =	vst v63  }
.Ltmp31:
0x206: {  	_ = 	snop;
	(pc) =	sbr.rel .LBB2_41-.Ltmp31, $4  }
0x207: {  	_ =	swait.ge [sflag:s0], $0x1020  }
0x208: {  	[sflag:s0] =	ssyncset.done $0x0  }
0x209: {  	s31 =	simm.s32 $0x8;
	[sflag:s0] =	ssyncadd.s32 $0xFFFFEFE0  }
0x20a: {  	s3 =	simm.s32 $0x0;
	[sflag:s31] =	ssyncpa.u1 $0x0  }
.LBB2_47:
0x20b: {  	p1 =	slt.u32 s4, $0x30D3F1  }
0x20c: {  	s0 =	sand.u32 @p1 $0x3FFFF8, s4  }
0x20d: {  	s4 =	sand.u32 @p1 $0x7, s4;
	s5 =	simm.s32 @p1 $0xF188;
	s0 =	sadd.s32 @p1 s1, s0  }
0x20e: {  	[tilespmem:s5], [sflag:$0x8] =	stream.linear.gather @p1 [hbm4b:s0+s4], $0x80, $0x38;
	[tilespmem:$0x1F6F8] =	vst v63  }
0x20f: {  	s0 =	simm.s32 @p1 $0x8  }
0x210: {  	_ =	swait.ge @p1 [sflag:s0], $0x80  }
0x211: {  	[sflag:s0] =	ssyncset.done @p1 $0x0  }
0x212: {  	[sflag:s0] =	ssyncadd.s32 @p1 $0xFFFFFF80  }
0x213: {  	v1 =	vld @p1 [tilespmem:$0xF188];
	_ =	sdelay $0x2  }
0x214: {  	s0 =	sshll.u32 @p1 s3, $0x9  }
0x215: {  	s4 =	sshrl.u32 @p1 s0, $0x2  }
0x216: {  	[tilespmem:s4+$0xF238] =	vst.add.f32.msk @p1 $0xffff, v1  }
0x217: {  	v1 =	vld @p1 [tilespmem:$0xF198];
	_ =	sdelay $0x4  }
0x218: {  	[tilespmem:s4+$0xF248] =	vst.add.f32.msk @p1 $0xffff, v1  }
0x219: {  	v1 =	vld @p1 [tilespmem:$0xF1A8];
	_ =	sdelay $0x4  }
0x21a: {  	[tilespmem:s4+$0xF258] =	vst.add.f32.msk @p1 $0xffff, v1  }
0x21b: {  	v1 =	vld @p1 [tilespmem:$0xF1B8];
	_ =	sdelay $0x4  }
0x21c: {  	[tilespmem:s4+$0xF268] =	vst.add.f32.msk @p1 $0xffff, v1  }
0x21d: {  	v1 =	vld @p1 [tilespmem:$0xF1C8];
	_ =	sdelay $0x4  }
0x21e: {  	[tilespmem:s4+$0xF278] =	vst.add.f32.msk @p1 $0xffff, v1  }
0x21f: {  	v1 =	vld @p1 [tilespmem:$0xF1D8];
	_ =	sdelay $0x4  }
0x220: {  	[tilespmem:s4+$0xF288] =	vst.add.f32.msk @p1 $0xffff, v1  }
0x221: {  	v1 =	vld @p1 [tilespmem:$0xF1E8];
	_ =	sdelay $0x4  }
0x222: {  	[tilespmem:s4+$0xF298] =	vst.add.f32.msk @p1 $0xffff, v1  }
0x223: {  	v1 =	vld @p1 [tilespmem:$0xF1F8];
	_ =	sdelay $0x3  }
0x224: {  	s5 =	sshll.u32 @!p1 s3, $0x9  }
0x225: {  	s5 =	smov.u32 @p1 s0;
	[tilespmem:s4+$0xF2A8] =	vst.add.f32.msk @p1 $0xffff, v1  }
0x226: {  	s0 =	sshrl.u32 s5, $0x2;
	[tilespmem:s2+$0xF218] =	vst.msk $0x1, v0  }
0x227: {  	v0 =	vld [tilespmem:s0+$0xF238];
	_ =	sdelay $0x2  }
0x228: {  	s31 =	sshll.u32 s2, $0x9  }
0x229: {  	s4 =	sshra.s32 s31, $0x2  }
0x22a: {  	[tilespmem:s4+$0xF238] =	vst v0  }
0x22b: {  	v0 =	vld [tilespmem:s0+$0xF248];
	_ =	sdelay $0x4  }
0x22c: {  	[tilespmem:s4+$0xF248] =	vst v0  }
0x22d: {  	v0 =	vld [tilespmem:s0+$0xF258];
	_ =	sdelay $0x4  }
0x22e: {  	[tilespmem:s4+$0xF258] =	vst v0  }
0x22f: {  	v0 =	vld [tilespmem:s0+$0xF268];
	_ =	sdelay $0x4  }
0x230: {  	[tilespmem:s4+$0xF268] =	vst v0  }
0x231: {  	v0 =	vld [tilespmem:s0+$0xF278];
	_ =	sdelay $0x4  }
0x232: {  	[tilespmem:s4+$0xF278] =	vst v0  }
0x233: {  	v0 =	vld [tilespmem:s0+$0xF288];
	_ =	sdelay $0x4  }
0x234: {  	[tilespmem:s4+$0xF288] =	vst v0  }
0x235: {  	v0 =	vld [tilespmem:s0+$0xF298];
	_ =	sdelay $0x4  }
0x236: {  	[tilespmem:s4+$0xF298] =	vst v0  }
0x237: {  	v0 =	vld [tilespmem:s0+$0xF2A8];
	_ =	sdelay $0x4  }
0x238: {  	s2 =	sadd.s32 $0x1, s2;
	[tilespmem:s4+$0xF2A8] =	vst v0  }
.LBB2_48:
0x239: {  	s3 =	sadd.s32 $0x1, s3  }
0x23a: {  	p1 =	sne.s32 s3, $0x20  }
.Ltmp32:
0x23b: {  	_ = 	snop;
	(pc) =	sbr.rel @!p1 .LBB2_49-.Ltmp32, $1  }
0x23c: {  	_ =	sdelay $0x3  }
.LBB2_41:
0x23d: {  	v0 =	vld.msk [tilespmem:s3+$0xF218], $0x1;
	_ =	sdelay $0x4  }
0x23e: {  	(v2sf) =	vpush v0, $0x0;
	_ =	sdelay $0xe  }
0x23f: {  	s4 =	spop (v2sf)  }
0x240: {  	p1 =	seq.s32 s4, $0xFFFFFFFF  }
.Ltmp33:
0x241: {  	_ = 	snop;
	(pc) =	sbr.rel @p1 .LBB2_48-.Ltmp33, $1  }
0x242: {  	_ =	sdelay $0x3  }
0x243: {  	p1 =	slt.s32 s2, $0x1  }
.Ltmp34:
0x244: {  	_ = 	snop;
	(pc) =	sbr.rel @p1 .LBB2_47-.Ltmp34, $1  }
0x245: {  	_ =	sdelay $0x3  }
0x246: {  	s5 =	simm.s32 $0xF218;
	p1 =	por $0x0, $0x0  }
0x247: {  	v1 =	vld.msk @!p1 [tilespmem:s5+$0x0], $0x1;
	_ =	sdelay $0x4  }
0x248: {  	(v2sf) =	vpush @!p1 v1, $0x0;
	_ =	sdelay $0xd  }
0x249: {  	p3 =	sne.s32 s2, $0x1  }
.Ltmp35:
0x24a: {  	s0 =	spop @!p1 (v2sf);
	(pc) =	sbr.rel @!p3 .LBB2_45-.Ltmp35, $4  }
0x24b: {  	p2 =	seq.s32 @!p1 s4, s0  }
0x24c: {  	s6 =	simm.s32 $0x0;
	p2 =	por !p2, p1  }
0x24d: {  	s7 =	simm.s32 $0xFFFFFFFF;
	s6 =	simm.s32 @p2 $0xFFFFFFFF  }
0x24e: {  	s0 =	simm.s32 $0x1;
	s6 =	smov.u32 @p1 s7  }
.LBB2_44:
0x24f: {  	s7 =	smov.u32 s6;
	p1 =	sne.s32 s6, $0xFFFFFFFF  }
0x250: {  	s5 =	sadd.s32 $0x1, s5;
	s6 =	smov.u32 s0;
	s0 =	sadd.s32 $0x1, s0  }
0x251: {  	p2 =	sne.s32 s2, s0;
	v1 =	vld.msk @!p1 [tilespmem:s5+$0x0], $0x1;
	_ =	sdelay $0x4  }
0x252: {  	(v2sf) =	vpush @!p1 v1, $0x0;
	_ =	sdelay $0xe  }
.Ltmp36:
0x253: {  	s8 =	spop @!p1 (v2sf);
	(pc) =	sbr.rel @p2 .LBB2_44-.Ltmp36, $4  }
0x254: {  	p3 =	seq.s32 @!p1 s4, s8  }
0x255: {  	p3 =	por !p3, p1  }
0x256: {  	s6 =	simm.s32 @p3 $0xFFFFFFFF  }
0x257: {  	s6 =	smov.u32 @p1 s7  }
.LBB2_45:
0x258: {  	p1 =	seq.s32 s6, $0xFFFFFFFF  }
.Ltmp37:
0x259: {  	_ = 	snop;
	(pc) =	sbr.rel @p1 .LBB2_47-.Ltmp37, $1  }
0x25a: {  	_ =	sdelay $0x3  }
0x25b: {  	s0 =	sshll.u32 s3, $0x7  }
0x25c: {  	s0 =	sand.u32 $0x3FFFFF80, s0  }
0x25d: {  	v0 =	vld [tilespmem:s0+$0xF238];
	_ =	sdelay $0x2  }
0x25e: {  	s4 =	sshll.u32 s6, $0x9  }
0x25f: {  	s4 =	sshra.s32 s4, $0x2  }
0x260: {  	[tilespmem:s4+$0xF238] =	vst.add.f32.msk $0xffff, v0  }
0x261: {  	v0 =	vld [tilespmem:s0+$0xF248];
	_ =	sdelay $0x4  }
0x262: {  	[tilespmem:s4+$0xF248] =	vst.add.f32.msk $0xffff, v0  }
0x263: {  	v0 =	vld [tilespmem:s0+$0xF258];
	_ =	sdelay $0x4  }
0x264: {  	[tilespmem:s4+$0xF258] =	vst.add.f32.msk $0xffff, v0  }
0x265: {  	v0 =	vld [tilespmem:s0+$0xF268];
	_ =	sdelay $0x4  }
0x266: {  	[tilespmem:s4+$0xF268] =	vst.add.f32.msk $0xffff, v0  }
0x267: {  	v0 =	vld [tilespmem:s0+$0xF278];
	_ =	sdelay $0x4  }
0x268: {  	[tilespmem:s4+$0xF278] =	vst.add.f32.msk $0xffff, v0  }
0x269: {  	v0 =	vld [tilespmem:s0+$0xF288];
	_ =	sdelay $0x4  }
0x26a: {  	[tilespmem:s4+$0xF288] =	vst.add.f32.msk $0xffff, v0  }
0x26b: {  	v0 =	vld [tilespmem:s0+$0xF298];
	_ =	sdelay $0x4  }
0x26c: {  	[tilespmem:s4+$0xF298] =	vst.add.f32.msk $0xffff, v0  }
0x26d: {  	v0 =	vld [tilespmem:s0+$0xF2A8]  }
.Ltmp38:
0x26e: {  	_ = 	snop;
	(pc) =	sbr.rel .LBB2_48-.Ltmp38, $2  }
0x26f: {  	_ =	sdelay $0x2  }
0x270: {  	[tilespmem:s4+$0xF2A8] =	vst.add.f32.msk $0xffff, v0  }
.LBB2_49:
0x271: {  	p1 =	slt.s32 s2, $0x1  }
.Ltmp39:
0x272: {  	_ = 	snop;
	(pc) =	sbr.rel @p1 .LBB2_53-.Ltmp39, $3  }
0x273: {  	_ =	sdelay $0x1  }
0x274: {  	s0 =	simm.s32 $0x8  }
0x275: {  	s3 =	simm.s32 $0x0;
	[sflag:s0] =	ssyncpa.u1 $0x1  }
0x276: {  	s0 =	simm.s32 $0xF218  }
0x277: {  	v0 =	vld.msk [tilespmem:s0+$0x0], $0x1;
	_ =	sdelay $0x4  }
0x278: {  	(v2sf) =	vpush v0, $0x0;
	_ =	sdelay $0xe  }
0x279: {  	s0 =	sadd.s32 $0xFFFFFFFF, s2;
	s5 =	spop (v2sf)  }
0x27a: {  	p2 =	sne.s32 s0, $0x0;
	p1 =	sgt.u32 s5, $0x30D3F0  }
.Ltmp40:
0x27b: {  	s6 =	sand.u32 @!p1 $0x3FFFF8, s5;
	(pc) =	sbr.rel @!p2 .LBB2_52-.Ltmp40, $4  }
0x27c: {  	s4 =	simm.s32 $0xF238;
	s5 =	sand.u32 @!p1 $0x7, s5;
	s2 =	sadd.s32 @!p1 s1, s6  }
0x27d: {  	[hbm4b:s2+s5] =	stream.linear.scatter @!p1 [tilespmem:s4], [sflag:$0x7], $0x80, $0x38;
	[tilespmem:$0x1F6F8] =	vst v63  }
0x27e: {  	s5 =	simm.s32 $0x0  }
0x27f: {  	s2 =	simm.s32 $0xF219;
	s5 =	simm.s32 @!p1 $0x200  }
.LBB2_51:
0x280: {  	v0 =	vld.msk [tilespmem:s2+$0x0], $0x1;
	s0 =	sadd.s32 $0xFFFFFFFF, s0;
	s3 =	sadd.s32 s3, s5  }
0x281: {  	p1 =	sne.s32 s0, $0x0;
	_ =	sdelay $0x3  }
0x282: {  	(v2sf) =	vpush v0, $0x0;
	_ =	sdelay $0xe  }
.Ltmp41:
0x283: {  	s6 =	spop (v2sf);
	(pc) =	sbr.rel @p1 .LBB2_51-.Ltmp41, $4  }
0x284: {  	s5 =	simm.s32 $0x0;
	p2 =	sgt.u32 s6, $0x30D3F0  }
0x285: {  	s4 =	sadd.s32 $0x80, s4;
	s5 =	simm.s32 @!p2 $0x200;
	s7 =	sand.u32 @!p2 $0x3FFFF8, s6  }
0x286: {  	s2 =	sadd.s32 $0x1, s2;
	s6 =	sand.u32 @!p2 $0x7, s6;
	s7 =	sadd.s32 @!p2 s1, s7  }
0x287: {  	[hbm4b:s7+s6] =	stream.linear.scatter @!p2 [tilespmem:s4], [sflag:$0x7], $0x80, $0x38;
	[tilespmem:$0x1F6F8] =	vst v63  }
.LBB2_52:
0x288: {  	s0 =	sadd.s32 s3, s5  }
0x289: {  	s3 =	sshrl.u32 s0, $0x2  }
.LBB2_53:
0x28a: {  	s0 =	simm.s32 $0x7  }
0x28b: {  	_ =	swait.ge [sflag:s0], s3  }
0x28c: {  	s1 =	ssub.s32 $0x0, s3;
	[sflag:s0] =	ssyncset.done $0x0  }
0x28d: {  	[sflag:s0] =	ssyncadd.s32 s1  }
0x28e: {  	[sflag:s0] =	ssyncpa.u1 $0x1  }
.LBB2_54:
0x28f: {  	_ =	sfence;
	s0 =	simm.s32 $0x1  }
0x290: {  	[sflag:s0] =	ssyncpa.u1 $0x1  }
0x291: {  	_ =	strace $0x9000004D  }
0x292: {  	[bflag:$0x2] =	sbarrier.arrive $0xFFFF  }
0x293: {  	s0 =	rddreg [dreg:$0x4]  }
0x294: {  	s0 =	sadd.s32 @!p0 $0x100000, s0  }
0x295: {  	[sflag:s0] =	ssyncadd.tile.s32 @!p0 $0x1;
	_ =	shalt  }
.Lfunc_end2:
_tile_overlayer_lowered:
.L_overlay_start_2:
0x296: {  	(tag) =	ssettag $0x2  }
0x297: {  	s0 =	rddreg [dreg:$0x0];
	s2 =	stileid.u32  }
0x298: {  	s1 =	rddreg [dreg:$0x1];
	p0 =	sne.s32 s2, $0x0  }
0x299: {  	s3 =	rddreg [dreg:$0x2];
	[bflag:$0x3] =	sbarrier.arrive $0xFFFF;
	s2 =	simm.s32 @!p0 $0x1C01  }
0x29a: {  	[timem:s3], [sflag:s2] =	dma.local @!p0 [hbm:s0], s1  }
0x29b: {  	s0 =	simm.s32 @!p0 $0x1  }
0x29c: {  	_ =	swait.ge @!p0 [sflag:s0], s1  }
0x29d: {  	s1 =	ssub.s32 @!p0 $0x0, s1;
	[sflag:s0] =	ssyncset.done @!p0 $0x0  }
0x29e: {  	[sflag:s0] =	ssyncadd.s32 @!p0 s1  }
0x29f: {  	[bflag:$0x3] =	sbarrier.arrive $0xFFFF  }
0x2a0: {  	_ =	shalt  }

</sc_bundles>
